<compile_context>
chip_gen: v7x
topology: tpu7x:2x2x1
jax: 0.10.2.dev20260603
libtpu: 0.0.44.dev20260713+nightly
codegen_flags: <defaults>
</compile_context>

<pallas_src>
import functools

import jax
import jax.numpy as jnp
from jax import lax
from jax.experimental import pallas as pl
from jax.experimental.pallas import tpu as pltpu
from jax.experimental.pallas import tpu_sc as plsc

_E = 262144
_NUM_CASES = 2048
_NUM_CODES = 8192
_NUM_NODES = _NUM_CASES + _NUM_CODES

_NC = 2
_NS = 16
_NW = _NC * _NS
_CPT = 52
_HWORDS = _CPT * _NUM_CASES
_NPASS = 5
_COV_CODES = _NPASS * _NW * _CPT
_KCHUNK = 8192
_NCHUNK = _E // _KCHUNK


def _key_body(case_ref, code_ref, k_ref):
    k_ref[...] = code_ref[...] * _NUM_CASES + case_ref[...]


def _make_keys(case_idx, code_idx):
    keys = pl.pallas_call(
        _key_body,
        out_shape=jax.ShapeDtypeStruct((256, 1024), jnp.int32),
    )(case_idx.reshape(256, 1024), code_idx.reshape(256, 1024))
    return keys.reshape(_E)


def _sc_body(keys_hbm, h_hbm, kbuf, hist):
    c = lax.axis_index("c")
    s = lax.axis_index("s")
    wid = s * _NC + c
    zeros16 = jnp.zeros((16,), jnp.int32)

    for p in range(_NPASS):
        code0 = p * (_NW * _CPT) + wid * _CPT
        base = code0 * _NUM_CASES

        def _z(i, carry):
            for u in range(8):
                hist[pl.ds(i * 128 + u * 16, 16)] = zeros16
            return carry

        lax.fori_loop(0, _HWORDS // 128, _z, 0)

        def _chunk(ci, carry):
            pltpu.sync_copy(keys_hbm.at[pl.ds(ci * _KCHUNK, _KCHUNK)], kbuf)

            def _g(g, carry2):
                locs, cnts, lasts = [], [], []
                for u in range(8):
                    local = kbuf[pl.ds(g * 128 + u * 16, 16)] - base
                    active = (local >= 0) & (local < _HWORDS)
                    cnt, last = plsc.scan_count(local, mask=active)
                    locs.append(local)
                    cnts.append(cnt)
                    lasts.append(last & active)
                for u in range(8):
                    plsc.addupdate_scatter(
                        hist, [locs[u]], cnts[u], mask=lasts[u])
                return carry2

            lax.fori_loop(0, _KCHUNK // 128, _g, 0)
            return carry

        lax.fori_loop(0, _NCHUNK, _chunk, 0)

        pltpu.sync_copy(hist, h_hbm.at[pl.ds(base, _HWORDS)])


_sc_hist = functools.partial(
    pl.kernel,
    out_type=jax.ShapeDtypeStruct((_COV_CODES * _NUM_CASES,), jnp.int32),
    mesh=plsc.VectorSubcoreMesh(
        core_axis_name="c", subcore_axis_name="s", num_cores=_NC,
        num_subcores=_NS,
    ),
    scratch_types=[
        pltpu.VMEM((_KCHUNK,), jnp.int32),
        pltpu.VMEM((_HWORDS,), jnp.int32),
    ],
    compiler_params=pltpu.CompilerParams(needs_layout_passes=False),
)(_sc_body)


def _tc_body(h_ref, cy_ref, ay_ref, o_ref):
    i = pl.program_id(0)

    @pl.when(i < _NUM_CODES // 512)
    def _():
        h = h_ref[...].astype(jnp.float32)
        both = cy_ref[...] * ay_ref[...]
        o_ref[...] = jnp.where(
            both == 1.0, jnp.where(h > 0.0, -1.0, 0.0), h
        )

    @pl.when(i >= _NUM_CODES // 512)
    def _():
        o_ref[...] = jnp.zeros_like(o_ref)


def _tc_transform(h, cy, ay):
    nbk = _NUM_NODES // 512
    hbk = _NUM_CODES // 512
    return pl.pallas_call(
        _tc_body,
        out_shape=jax.ShapeDtypeStruct((_NUM_NODES, _NUM_CASES), jnp.float32),
        grid=(nbk,),
        in_specs=[
            pl.BlockSpec((512, _NUM_CASES),
                         lambda i: (jnp.minimum(i, hbk - 1), 0)),
            pl.BlockSpec((512, 1), lambda i: (jnp.minimum(i, hbk - 1), 0)),
            pl.BlockSpec((1, _NUM_CASES), lambda i: (0, 0)),
        ],
        out_specs=pl.BlockSpec((512, _NUM_CASES), lambda i: (i, 0)),
    )(h, cy, ay)


def kernel(case_idx, code_idx, case_y, code_y):
    keys = _make_keys(case_idx, code_idx)
    h = _sc_hist(keys)
    h = h.reshape(_COV_CODES, _NUM_CASES)
    cy = code_y.astype(jnp.float32).reshape(_NUM_CODES, 1)
    ay = case_y.astype(jnp.float32).reshape(1, _NUM_CASES)
    return _tc_transform(h, cy, ay)

# --- scband reference (transcript-rebuilt; emitter-appended) ---
"""Pipeline reference for scband-program-spectrum-3831110828092 (READ-ONLY COPY).

The authoritative reference and input builder live on the scoring server;
editing this copy changes nothing except your own understanding.
"""

import jax, jax.numpy as jnp
import numpy as np

NUM_CASES = 2048
NUM_CODES = 8192
E = 262144


def setup_inputs(seed: int = 0) -> dict:
    key = jax.random.key(seed)
    k1, k2, k3, k4 = jax.random.split(key, 4)
    case_idx = jax.random.randint(k1, (E,), 0, NUM_CASES, dtype=jnp.int32)
    code_idx = jax.random.randint(k2, (E,), 0, NUM_CODES, dtype=jnp.int32)
    case_y = jax.random.randint(k3, (NUM_CASES,), 0, 2, dtype=jnp.int32)
    code_y = jax.random.randint(k4, (NUM_CODES,), 0, 2, dtype=jnp.int32)
    return {"case_idx": case_idx, "code_idx": code_idx, "case_y": case_y, "code_y": code_y}


def reference(case_idx, code_idx, case_y, code_y):
    # Single code type 'Code'; sorted(['Case','Code']) -> case_row_idx=0, code_row_idx=1, start_idx=0.
    num_cases = case_y.shape[0]
    num_codes = code_y.shape[0]
    num_nodes = num_cases + num_codes
    spectrum = jnp.zeros((num_nodes, num_cases), dtype=jnp.float32)
    # Edge condition: both Case label and Code label == 1 -> overwrite with -1, else scatter-add +1
    mask = (case_y[case_idx] == 1) & (code_y[code_idx] == 1)
    rows = code_idx  # + start_idx (0 for the single/first code type)
    add_vals = jnp.where(mask, 0.0, 1.0).astype(jnp.float32)
    spectrum = spectrum.at[rows, case_idx].add(add_vals)
    # scatter-overwrite -1 for masked edges (drop non-masked via out-of-bounds row)
    set_rows = jnp.where(mask, rows, num_nodes)
    spectrum = spectrum.at[set_rows, case_idx].set(-1.0, mode="drop")
    return spectrum

if __name__ == "__main__":
    import jax
    _d = setup_inputs()
    print(jax.jit(kernel)(*tuple(_d.values())))

</pallas_src>

<mosaic_0001>
#map = affine_map<(d0, d1) -> (0)>
module attributes {stable_mosaic.version = 14 : i64} {
  func.func @_sc_body(%arg0: i32, %arg1: i32, %arg2: memref<262144xi32, #tpu.memory_space<hbm>>, %arg3: memref<17039360xi32, #tpu.memory_space<hbm>>, %arg4: memref<8192xi32, #tpu.memory_space<vmem>>, %arg5: memref<106496xi32, #tpu.memory_space<vmem>>) attributes {dimension_semantics = [#tpu.dimension_semantics<core_parallel>, #tpu.dimension_semantics<subcore_parallel>], iteration_bounds = array<i64: 2, 16>, scalar_prefetch = 0 : i64, scratch_operands = 2 : i64, tpu.core_type = #tpu.core_type<sc_vector_subcore>, window_params = [{transform_indices = #map}, {transform_indices = #map}]} {
    %mul3A = arith.constant 2 : i32
    %mul3A_0 = arith.muli %arg1, %mul3A : i32
    %add3A = arith.addi %mul3A_0, %arg0 : i32
    %broadcast_in_dim3A = arith.constant 0 : i32
    %broadcast_in_dim3A_1 = vector.broadcast %broadcast_in_dim3A : i32 to vector<16xi32>
    %mul3A_2 = arith.constant 52 : i32
    %mul3A_3 = arith.muli %add3A, %mul3A_2 : i32
    %add3A_4 = arith.constant 0 : i32
    %add3A_5 = arith.addi %add3A_4, %mul3A_3 : i32
    %mul3A_6 = arith.constant 2048 : i32
    %mul3A_7 = arith.muli %add3A_5, %mul3A_6 : i32
    %scan3A = arith.constant 0 : i32
    %scan3A_8 = arith.constant 0 : i32
    %scan3A_9 = arith.constant 832 : i32
    %scan3A_10 = arith.addi %scan3A_8, %scan3A_9 : i32
    %scan3A_11 = arith.constant 1 : i32
    scf.for %scan3A_91 = %scan3A_8 to %scan3A_10 step %scan3A_11  : i32 {
      %mul3A_92 = arith.constant 128 : i32
      %mul3A_93 = arith.muli %scan3A_91, %mul3A_92 : i32
      %add3A_94 = arith.constant 0 : i32
      %add3A_95 = arith.addi %mul3A_93, %add3A_94 : i32
      %swap3A = arith.index_cast %add3A_95 : i32 to index
      %swap3A_96 = tpu.vector_load %arg5[%swap3A] {strides = array<i32>} : memref<106496xi32, #tpu.memory_space<vmem>>, vector<16xi32>,
      tpu.vector_store %arg5[%swap3A], %broadcast_in_dim3A_1 {strides = array<i32>} : memref<106496xi32, #tpu.memory_space<vmem>>, vector<16xi32>,
      %mul3A_97 = arith.constant 128 : i32
      %mul3A_98 = arith.muli %scan3A_91, %mul3A_97 : i32
      %add3A_99 = arith.constant 16 : i32
      %add3A_100 = arith.addi %mul3A_98, %add3A_99 : i32
      %swap3A_101 = arith.index_cast %add3A_100 : i32 to index
      %swap3A_102 = tpu.vector_load %arg5[%swap3A_101] {strides = array<i32>} : memref<106496xi32, #tpu.memory_space<vmem>>, vector<16xi32>,
      tpu.vector_store %arg5[%swap3A_101], %broadcast_in_dim3A_1 {strides = array<i32>} : memref<106496xi32, #tpu.memory_space<vmem>>, vector<16xi32>,
      %mul3A_103 = arith.constant 128 : i32
      %mul3A_104 = arith.muli %scan3A_91, %mul3A_103 : i32
      %add3A_105 = arith.constant 32 : i32
      %add3A_106 = arith.addi %mul3A_104, %add3A_105 : i32
      %swap3A_107 = arith.index_cast %add3A_106 : i32 to index
      %swap3A_108 = tpu.vector_load %arg5[%swap3A_107] {strides = array<i32>} : memref<106496xi32, #tpu.memory_space<vmem>>, vector<16xi32>,
      tpu.vector_store %arg5[%swap3A_107], %broadcast_in_dim3A_1 {strides = array<i32>} : memref<106496xi32, #tpu.memory_space<vmem>>, vector<16xi32>,
      %mul3A_109 = arith.constant 128 : i32
      %mul3A_110 = arith.muli %scan3A_91, %mul3A_109 : i32
      %add3A_111 = arith.constant 48 : i32
      %add3A_112 = arith.addi %mul3A_110, %add3A_111 : i32
      %swap3A_113 = arith.index_cast %add3A_112 : i32 to index
      %swap3A_114 = tpu.vector_load %arg5[%swap3A_113] {strides = array<i32>} : memref<106496xi32, #tpu.memory_space<vmem>>, vector<16xi32>,
      tpu.vector_store %arg5[%swap3A_113], %broadcast_in_dim3A_1 {strides = array<i32>} : memref<106496xi32, #tpu.memory_space<vmem>>, vector<16xi32>,
      %mul3A_115 = arith.constant 128 : i32
      %mul3A_116 = arith.muli %scan3A_91, %mul3A_115 : i32
      %add3A_117 = arith.constant 64 : i32
      %add3A_118 = arith.addi %mul3A_116, %add3A_117 : i32
      %swap3A_119 = arith.index_cast %add3A_118 : i32 to index
      %swap3A_120 = tpu.vector_load %arg5[%swap3A_119] {strides = array<i32>} : memref<106496xi32, #tpu.memory_space<vmem>>, vector<16xi32>,
      tpu.vector_store %arg5[%swap3A_119], %broadcast_in_dim3A_1 {strides = array<i32>} : memref<106496xi32, #tpu.memory_space<vmem>>, vector<16xi32>,
      %mul3A_121 = arith.constant 128 : i32
      %mul3A_122 = arith.muli %scan3A_91, %mul3A_121 : i32
      %add3A_123 = arith.constant 80 : i32
      %add3A_124 = arith.addi %mul3A_122, %add3A_123 : i32
      %swap3A_125 = arith.index_cast %add3A_124 : i32 to index
      %swap3A_126 = tpu.vector_load %arg5[%swap3A_125] {strides = array<i32>} : memref<106496xi32, #tpu.memory_space<vmem>>, vector<16xi32>,
      tpu.vector_store %arg5[%swap3A_125], %broadcast_in_dim3A_1 {strides = array<i32>} : memref<106496xi32, #tpu.memory_space<vmem>>, vector<16xi32>,
      %mul3A_127 = arith.constant 128 : i32
      %mul3A_128 = arith.muli %scan3A_91, %mul3A_127 : i32
      %add3A_129 = arith.constant 96 : i32
      %add3A_130 = arith.addi %mul3A_128, %add3A_129 : i32
      %swap3A_131 = arith.index_cast %add3A_130 : i32 to index
      %swap3A_132 = tpu.vector_load %arg5[%swap3A_131] {strides = array<i32>} : memref<106496xi32, #tpu.memory_space<vmem>>, vector<16xi32>,
      tpu.vector_store %arg5[%swap3A_131], %broadcast_in_dim3A_1 {strides = array<i32>} : memref<106496xi32, #tpu.memory_space<vmem>>, vector<16xi32>,
      %mul3A_133 = arith.constant 128 : i32
      %mul3A_134 = arith.muli %scan3A_91, %mul3A_133 : i32
      %add3A_135 = arith.constant 112 : i32
      %add3A_136 = arith.addi %mul3A_134, %add3A_135 : i32
      %swap3A_137 = arith.index_cast %add3A_136 : i32 to index
      %swap3A_138 = tpu.vector_load %arg5[%swap3A_137] {strides = array<i32>} : memref<106496xi32, #tpu.memory_space<vmem>>, vector<16xi32>,
      tpu.vector_store %arg5[%swap3A_137], %broadcast_in_dim3A_1 {strides = array<i32>} : memref<106496xi32, #tpu.memory_space<vmem>>, vector<16xi32>,
    }
    %scan3A_12 = arith.constant 832 : i32
    %scan3A_13 = arith.constant 0 : i32
    %scan3A_14 = arith.constant 0 : i32
    %scan3A_15 = arith.constant 32 : i32
    %scan3A_16 = arith.addi %scan3A_14, %scan3A_15 : i32
    %scan3A_17 = arith.constant 1 : i32
    scf.for %scan3A_91 = %scan3A_14 to %scan3A_16 step %scan3A_17  : i32 {
      %mul3A_92 = arith.constant 8192 : i32
      %mul3A_93 = arith.muli %scan3A_91, %mul3A_92 : i32
      "tpu.region"() ({
        %run_scoped3A = tpu.sem_alloc : memref<!tpu.dma_semaphore, #tpu.memory_space<semaphore_mem>>
        %dma_start3A = tpu.memref_slice %arg2[%mul3A_93] : memref<262144xi32, #tpu.memory_space<hbm>> -> memref<8192xi32, #tpu.memory_space<hbm>>
        %dma_start3A_100 = tpu.memref_slice %arg2[%mul3A_93] : memref<262144xi32, #tpu.memory_space<hbm>> -> memref<8192xi32, #tpu.memory_space<hbm>>
        tpu.enqueue_dma source(%dma_start3A_100 : memref<8192xi32, #tpu.memory_space<hbm>>) target(%arg4 : memref<8192xi32, #tpu.memory_space<vmem>>) target_semaphore(%run_scoped3A : memref<!tpu.dma_semaphore, #tpu.memory_space<semaphore_mem>>)
        %dma_wait3A = tpu.memref_slice %arg2[%mul3A_93] : memref<262144xi32, #tpu.memory_space<hbm>> -> memref<8192xi32, #tpu.memory_space<hbm>>
        %dma_wait3A_101 = tpu.memref_slice %arg2[%mul3A_93] : memref<262144xi32, #tpu.memory_space<hbm>> -> memref<8192xi32, #tpu.memory_space<hbm>>
        tpu.wait_dma2 semaphore(%run_scoped3A : memref<!tpu.dma_semaphore, #tpu.memory_space<semaphore_mem>>) src(%dma_wait3A_101 : memref<8192xi32, #tpu.memory_space<hbm>>) dst(%arg4 : memref<8192xi32, #tpu.memory_space<vmem>>)
        tpu.yield
      }) : () -> ()
      %scan3A_94 = arith.constant 0 : i32
      %scan3A_95 = arith.constant 0 : i32
      %scan3A_96 = arith.constant 64 : i32
      %scan3A_97 = arith.addi %scan3A_95, %scan3A_96 : i32
      %scan3A_98 = arith.constant 1 : i32
      scf.for %scan3A_100 = %scan3A_95 to %scan3A_97 step %scan3A_98  : i32 {
        %mul3A_101 = arith.constant 128 : i32
        %mul3A_102 = arith.muli %scan3A_100, %mul3A_101 : i32
        %add3A_103 = arith.constant 0 : i32
        %add3A_104 = arith.addi %mul3A_102, %add3A_103 : i32
        %get3A = arith.index_cast %add3A_104 : i32 to index
        %get3A_105 = tpu.vector_load %arg4[%get3A] {strides = array<i32>} : memref<8192xi32, #tpu.memory_space<vmem>>, vector<16xi32>,
        %sub3A = vector.broadcast %mul3A_7 : i32 to vector<16xi32>
        %sub3A_106 = arith.subi %get3A_105, %sub3A : vector<16xi32>
        %ge3A = arith.constant 0 : i32
        %ge3A_107 = vector.broadcast %ge3A : i32 to vector<16xi32>
        %ge3A_108 = arith.cmpi sge, %sub3A_106, %ge3A_107 : vector<16xi32>
        %lt3A = arith.constant 106496 : i32
        %lt3A_109 = vector.broadcast %lt3A : i32 to vector<16xi32>
        %lt3A_110 = arith.cmpi slt, %sub3A_106, %lt3A_109 : vector<16xi32>
        %and3A = arith.andi %ge3A_108, %lt3A_110 : vector<16xi1>
        %unique3A, %unique3A_111 = tpu.scan_count mask(%and3A : vector<16xi1>) value(%sub3A_106 : vector<16xi32>) : vector<16xi1>, vector<16xi32>
        %and3A_112 = arith.andi %unique3A, %and3A : vector<16xi1>
        %mul3A_113 = arith.constant 128 : i32
        %mul3A_114 = arith.muli %scan3A_100, %mul3A_113 : i32
        %add3A_115 = arith.constant 16 : i32
        %add3A_116 = arith.addi %mul3A_114, %add3A_115 : i32
        %get3A_117 = arith.index_cast %add3A_116 : i32 to index
        %get3A_118 = tpu.vector_load %arg4[%get3A_117] {strides = array<i32>} : memref<8192xi32, #tpu.memory_space<vmem>>, vector<16xi32>,
        %sub3A_119 = vector.broadcast %mul3A_7 : i32 to vector<16xi32>
        %sub3A_120 = arith.subi %get3A_118, %sub3A_119 : vector<16xi32>
        %ge3A_121 = arith.constant 0 : i32
        %ge3A_122 = vector.broadcast %ge3A_121 : i32 to vector<16xi32>
        %ge3A_123 = arith.cmpi sge, %sub3A_120, %ge3A_122 : vector<16xi32>
        %lt3A_124 = arith.constant 106496 : i32
        %lt3A_125 = vector.broadcast %lt3A_124 : i32 to vector<16xi32>
        %lt3A_126 = arith.cmpi slt, %sub3A_120, %lt3A_125 : vector<16xi32>
        %and3A_127 = arith.andi %ge3A_123, %lt3A_126 : vector<16xi1>
        %unique3A_128, %unique3A_129 = tpu.scan_count mask(%and3A_127 : vector<16xi1>) value(%sub3A_120 : vector<16xi32>) : vector<16xi1>, vector<16xi32>
        %and3A_130 = arith.andi %unique3A_128, %and3A_127 : vector<16xi1>
        %mul3A_131 = arith.constant 128 : i32
        %mul3A_132 = arith.muli %scan3A_100, %mul3A_131 : i32
        %add3A_133 = arith.constant 32 : i32
        %add3A_134 = arith.addi %mul3A_132, %add3A_133 : i32
        %get3A_135 = arith.index_cast %add3A_134 : i32 to index
        %get3A_136 = tpu.vector_load %arg4[%get3A_135] {strides = array<i32>} : memref<8192xi32, #tpu.memory_space<vmem>>, vector<16xi32>,
        %sub3A_137 = vector.broadcast %mul3A_7 : i32 to vector<16xi32>
        %sub3A_138 = arith.subi %get3A_136, %sub3A_137 : vector<16xi32>
        %ge3A_139 = arith.constant 0 : i32
        %ge3A_140 = vector.broadcast %ge3A_139 : i32 to vector<16xi32>
        %ge3A_141 = arith.cmpi sge, %sub3A_138, %ge3A_140 : vector<16xi32>
        %lt3A_142 = arith.constant 106496 : i32
        %lt3A_143 = vector.broadcast %lt3A_142 : i32 to vector<16xi32>
        %lt3A_144 = arith.cmpi slt, %sub3A_138, %lt3A_143 : vector<16xi32>
        %and3A_145 = arith.andi %ge3A_141, %lt3A_144 : vector<16xi1>
        %unique3A_146, %unique3A_147 = tpu.scan_count mask(%and3A_145 : vector<16xi1>) value(%sub3A_138 : vector<16xi32>) : vector<16xi1>, vector<16xi32>
        %and3A_148 = arith.andi %unique3A_146, %and3A_145 : vector<16xi1>
        %mul3A_149 = arith.constant 128 : i32
        %mul3A_150 = arith.muli %scan3A_100, %mul3A_149 : i32
        %add3A_151 = arith.constant 48 : i32
        %add3A_152 = arith.addi %mul3A_150, %add3A_151 : i32
        %get3A_153 = arith.index_cast %add3A_152 : i32 to index
        %get3A_154 = tpu.vector_load %arg4[%get3A_153] {strides = array<i32>} : memref<8192xi32, #tpu.memory_space<vmem>>, vector<16xi32>,
        %sub3A_155 = vector.broadcast %mul3A_7 : i32 to vector<16xi32>
        %sub3A_156 = arith.subi %get3A_154, %sub3A_155 : vector<16xi32>
        %ge3A_157 = arith.constant 0 : i32
        %ge3A_158 = vector.broadcast %ge3A_157 : i32 to vector<16xi32>
        %ge3A_159 = arith.cmpi sge, %sub3A_156, %ge3A_158 : vector<16xi32>
        %lt3A_160 = arith.constant 106496 : i32
        %lt3A_161 = vector.broadcast %lt3A_160 : i32 to vector<16xi32>
        %lt3A_162 = arith.cmpi slt, %sub3A_156, %lt3A_161 : vector<16xi32>
        %and3A_163 = arith.andi %ge3A_159, %lt3A_162 : vector<16xi1>
        %unique3A_164, %unique3A_165 = tpu.scan_count mask(%and3A_163 : vector<16xi1>) value(%sub3A_156 : vector<16xi32>) : vector<16xi1>, vector<16xi32>
        %and3A_166 = arith.andi %unique3A_164, %and3A_163 : vector<16xi1>
        %mul3A_167 = arith.constant 128 : i32
        %mul3A_168 = arith.muli %scan3A_100, %mul3A_167 : i32
        %add3A_169 = arith.constant 64 : i32
        %add3A_170 = arith.addi %mul3A_168, %add3A_169 : i32
        %get3A_171 = arith.index_cast %add3A_170 : i32 to index
        %get3A_172 = tpu.vector_load %arg4[%get3A_171] {strides = array<i32>} : memref<8192xi32, #tpu.memory_space<vmem>>, vector<16xi32>,
        %sub3A_173 = vector.broadcast %mul3A_7 : i32 to vector<16xi32>
        %sub3A_174 = arith.subi %get3A_172, %sub3A_173 : vector<16xi32>
        %ge3A_175 = arith.constant 0 : i32
        %ge3A_176 = vector.broadcast %ge3A_175 : i32 to vector<16xi32>
        %ge3A_177 = arith.cmpi sge, %sub3A_174, %ge3A_176 : vector<16xi32>
        %lt3A_178 = arith.constant 106496 : i32
        %lt3A_179 = vector.broadcast %lt3A_178 : i32 to vector<16xi32>
        %lt3A_180 = arith.cmpi slt, %sub3A_174, %lt3A_179 : vector<16xi32>
        %and3A_181 = arith.andi %ge3A_177, %lt3A_180 : vector<16xi1>
        %unique3A_182, %unique3A_183 = tpu.scan_count mask(%and3A_181 : vector<16xi1>) value(%sub3A_174 : vector<16xi32>) : vector<16xi1>, vector<16xi32>
        %and3A_184 = arith.andi %unique3A_182, %and3A_181 : vector<16xi1>
        %mul3A_185 = arith.constant 128 : i32
        %mul3A_186 = arith.muli %scan3A_100, %mul3A_185 : i32
        %add3A_187 = arith.constant 80 : i32
        %add3A_188 = arith.addi %mul3A_186, %add3A_187 : i32
        %get3A_189 = arith.index_cast %add3A_188 : i32 to index
        %get3A_190 = tpu.vector_load %arg4[%get3A_189] {strides = array<i32>} : memref<8192xi32, #tpu.memory_space<vmem>>, vector<16xi32>,
        %sub3A_191 = vector.broadcast %mul3A_7 : i32 to vector<16xi32>
        %sub3A_192 = arith.subi %get3A_190, %sub3A_191 : vector<16xi32>
        %ge3A_193 = arith.constant 0 : i32
        %ge3A_194 = vector.broadcast %ge3A_193 : i32 to vector<16xi32>
        %ge3A_195 = arith.cmpi sge, %sub3A_192, %ge3A_194 : vector<16xi32>
        %lt3A_196 = arith.constant 106496 : i32
        %lt3A_197 = vector.broadcast %lt3A_196 : i32 to vector<16xi32>
        %lt3A_198 = arith.cmpi slt, %sub3A_192, %lt3A_197 : vector<16xi32>
        %and3A_199 = arith.andi %ge3A_195, %lt3A_198 : vector<16xi1>
        %unique3A_200, %unique3A_201 = tpu.scan_count mask(%and3A_199 : vector<16xi1>) value(%sub3A_192 : vector<16xi32>) : vector<16xi1>, vector<16xi32>
        %and3A_202 = arith.andi %unique3A_200, %and3A_199 : vector<16xi1>
        %mul3A_203 = arith.constant 128 : i32
        %mul3A_204 = arith.muli %scan3A_100, %mul3A_203 : i32
        %add3A_205 = arith.constant 96 : i32
        %add3A_206 = arith.addi %mul3A_204, %add3A_205 : i32
        %get3A_207 = arith.index_cast %add3A_206 : i32 to index
        %get3A_208 = tpu.vector_load %arg4[%get3A_207] {strides = array<i32>} : memref<8192xi32, #tpu.memory_space<vmem>>, vector<16xi32>,
        %sub3A_209 = vector.broadcast %mul3A_7 : i32 to vector<16xi32>
        %sub3A_210 = arith.subi %get3A_208, %sub3A_209 : vector<16xi32>
        %ge3A_211 = arith.constant 0 : i32
        %ge3A_212 = vector.broadcast %ge3A_211 : i32 to vector<16xi32>
        %ge3A_213 = arith.cmpi sge, %sub3A_210, %ge3A_212 : vector<16xi32>
        %lt3A_214 = arith.constant 106496 : i32
        %lt3A_215 = vector.broadcast %lt3A_214 : i32 to vector<16xi32>
        %lt3A_216 = arith.cmpi slt, %sub3A_210, %lt3A_215 : vector<16xi32>
        %and3A_217 = arith.andi %ge3A_213, %lt3A_216 : vector<16xi1>
        %unique3A_218, %unique3A_219 = tpu.scan_count mask(%and3A_217 : vector<16xi1>) value(%sub3A_210 : vector<16xi32>) : vector<16xi1>, vector<16xi32>
        %and3A_220 = arith.andi %unique3A_218, %and3A_217 : vector<16xi1>
        %mul3A_221 = arith.constant 128 : i32
        %mul3A_222 = arith.muli %scan3A_100, %mul3A_221 : i32
        %add3A_223 = arith.constant 112 : i32
        %add3A_224 = arith.addi %mul3A_222, %add3A_223 : i32
        %get3A_225 = arith.index_cast %add3A_224 : i32 to index
        %get3A_226 = tpu.vector_load %arg4[%get3A_225] {strides = array<i32>} : memref<8192xi32, #tpu.memory_space<vmem>>, vector<16xi32>,
        %sub3A_227 = vector.broadcast %mul3A_7 : i32 to vector<16xi32>
        %sub3A_228 = arith.subi %get3A_226, %sub3A_227 : vector<16xi32>
        %ge3A_229 = arith.constant 0 : i32
        %ge3A_230 = vector.broadcast %ge3A_229 : i32 to vector<16xi32>
        %ge3A_231 = arith.cmpi sge, %sub3A_228, %ge3A_230 : vector<16xi32>
        %lt3A_232 = arith.constant 106496 : i32
        %lt3A_233 = vector.broadcast %lt3A_232 : i32 to vector<16xi32>
        %lt3A_234 = arith.cmpi slt, %sub3A_228, %lt3A_233 : vector<16xi32>
        %and3A_235 = arith.andi %ge3A_231, %lt3A_234 : vector<16xi1>
        %unique3A_236, %unique3A_237 = tpu.scan_count mask(%and3A_235 : vector<16xi1>) value(%sub3A_228 : vector<16xi32>) : vector<16xi1>, vector<16xi32>
        %and3A_238 = arith.andi %unique3A_236, %and3A_235 : vector<16xi1>
        tpu.vector_store_idx %arg5[%sub3A_106], %unique3A_111 masked %and3A_112 {add = true} : memref<106496xi32, #tpu.memory_space<vmem>>[vector<16xi32>], vector<16xi32>, vector<16xi1>
        tpu.vector_store_idx %arg5[%sub3A_120], %unique3A_129 masked %and3A_130 {add = true} : memref<106496xi32, #tpu.memory_space<vmem>>[vector<16xi32>], vector<16xi32>, vector<16xi1>
        tpu.vector_store_idx %arg5[%sub3A_138], %unique3A_147 masked %and3A_148 {add = true} : memref<106496xi32, #tpu.memory_space<vmem>>[vector<16xi32>], vector<16xi32>, vector<16xi1>
        tpu.vector_store_idx %arg5[%sub3A_156], %unique3A_165 masked %and3A_166 {add = true} : memref<106496xi32, #tpu.memory_space<vmem>>[vector<16xi32>], vector<16xi32>, vector<16xi1>
        tpu.vector_store_idx %arg5[%sub3A_174], %unique3A_183 masked %and3A_184 {add = true} : memref<106496xi32, #tpu.memory_space<vmem>>[vector<16xi32>], vector<16xi32>, vector<16xi1>
        tpu.vector_store_idx %arg5[%sub3A_192], %unique3A_201 masked %and3A_202 {add = true} : memref<106496xi32, #tpu.memory_space<vmem>>[vector<16xi32>], vector<16xi32>, vector<16xi1>
        tpu.vector_store_idx %arg5[%sub3A_210], %unique3A_219 masked %and3A_220 {add = true} : memref<106496xi32, #tpu.memory_space<vmem>>[vector<16xi32>], vector<16xi32>, vector<16xi1>
        tpu.vector_store_idx %arg5[%sub3A_228], %unique3A_237 masked %and3A_238 {add = true} : memref<106496xi32, #tpu.memory_space<vmem>>[vector<16xi32>], vector<16xi32>, vector<16xi1>
      }
      %scan3A_99 = arith.constant 64 : i32
    }
    %scan3A_18 = arith.constant 32 : i32
    "tpu.region"() ({
      %run_scoped3A = tpu.sem_alloc : memref<!tpu.dma_semaphore, #tpu.memory_space<semaphore_mem>>
      %dma_start3A = tpu.memref_slice %arg3[%mul3A_7] : memref<17039360xi32, #tpu.memory_space<hbm>> -> memref<106496xi32, #tpu.memory_space<hbm>>
      %dma_start3A_91 = tpu.memref_slice %arg3[%mul3A_7] : memref<17039360xi32, #tpu.memory_space<hbm>> -> memref<106496xi32, #tpu.memory_space<hbm>>
      tpu.enqueue_dma source(%arg5 : memref<106496xi32, #tpu.memory_space<vmem>>) target(%dma_start3A_91 : memref<106496xi32, #tpu.memory_space<hbm>>) target_semaphore(%run_scoped3A : memref<!tpu.dma_semaphore, #tpu.memory_space<semaphore_mem>>)
      %dma_wait3A = tpu.memref_slice %arg3[%mul3A_7] : memref<17039360xi32, #tpu.memory_space<hbm>> -> memref<106496xi32, #tpu.memory_space<hbm>>
      %dma_wait3A_92 = tpu.memref_slice %arg3[%mul3A_7] : memref<17039360xi32, #tpu.memory_space<hbm>> -> memref<106496xi32, #tpu.memory_space<hbm>>
      tpu.wait_dma2 semaphore(%run_scoped3A : memref<!tpu.dma_semaphore, #tpu.memory_space<semaphore_mem>>) src(%arg5 : memref<106496xi32, #tpu.memory_space<vmem>>) dst(%dma_wait3A_92 : memref<106496xi32, #tpu.memory_space<hbm>>)
      tpu.yield
    }) : () -> ()
    %mul3A_19 = arith.constant 52 : i32
    %mul3A_20 = arith.muli %add3A, %mul3A_19 : i32
    %add3A_21 = arith.constant 1664 : i32
    %add3A_22 = arith.addi %add3A_21, %mul3A_20 : i32
    %mul3A_23 = arith.constant 2048 : i32
    %mul3A_24 = arith.muli %add3A_22, %mul3A_23 : i32
    %scan3A_25 = arith.constant 0 : i32
    %scan3A_26 = arith.constant 0 : i32
    %scan3A_27 = arith.constant 832 : i32
    %scan3A_28 = arith.addi %scan3A_26, %scan3A_27 : i32
    %scan3A_29 = arith.constant 1 : i32
    scf.for %scan3A_91 = %scan3A_26 to %scan3A_28 step %scan3A_29  : i32 {
      %mul3A_92 = arith.constant 128 : i32
      %mul3A_93 = arith.muli %scan3A_91, %mul3A_92 : i32
      %add3A_94 = arith.constant 0 : i32
      %add3A_95 = arith.addi %mul3A_93, %add3A_94 : i32
      %swap3A = arith.index_cast %add3A_95 : i32 to index
      %swap3A_96 = tpu.vector_load %arg5[%swap3A] {strides = array<i32>} : memref<106496xi32, #tpu.memory_space<vmem>>, vector<16xi32>,
      tpu.vector_store %arg5[%swap3A], %broadcast_in_dim3A_1 {strides = array<i32>} : memref<106496xi32, #tpu.memory_space<vmem>>, vector<16xi32>,
      %mul3A_97 = arith.constant 128 : i32
      %mul3A_98 = arith.muli %scan3A_91, %mul3A_97 : i32
      %add3A_99 = arith.constant 16 : i32
      %add3A_100 = arith.addi %mul3A_98, %add3A_99 : i32
      %swap3A_101 = arith.index_cast %add3A_100 : i32 to index
      %swap3A_102 = tpu.vector_load %arg5[%swap3A_101] {strides = array<i32>} : memref<106496xi32, #tpu.memory_space<vmem>>, vector<16xi32>,
      tpu.vector_store %arg5[%swap3A_101], %broadcast_in_dim3A_1 {strides = array<i32>} : memref<106496xi32, #tpu.memory_space<vmem>>, vector<16xi32>,
      %mul3A_103 = arith.constant 128 : i32
      %mul3A_104 = arith.muli %scan3A_91, %mul3A_103 : i32
      %add3A_105 = arith.constant 32 : i32
      %add3A_106 = arith.addi %mul3A_104, %add3A_105 : i32
      %swap3A_107 = arith.index_cast %add3A_106 : i32 to index
      %swap3A_108 = tpu.vector_load %arg5[%swap3A_107] {strides = array<i32>} : memref<106496xi32, #tpu.memory_space<vmem>>, vector<16xi32>,
      tpu.vector_store %arg5[%swap3A_107], %broadcast_in_dim3A_1 {strides = array<i32>} : memref<106496xi32, #tpu.memory_space<vmem>>, vector<16xi32>,
      %mul3A_109 = arith.constant 128 : i32
      %mul3A_110 = arith.muli %scan3A_91, %mul3A_109 : i32
      %add3A_111 = arith.constant 48 : i32
      %add3A_112 = arith.addi %mul3A_110, %add3A_111 : i32
      %swap3A_113 = arith.index_cast %add3A_112 : i32 to index
      %swap3A_114 = tpu.vector_load %arg5[%swap3A_113] {strides = array<i32>} : memref<106496xi32, #tpu.memory_space<vmem>>, vector<16xi32>,
      tpu.vector_store %arg5[%swap3A_113], %broadcast_in_dim3A_1 {strides = array<i32>} : memref<106496xi32, #tpu.memory_space<vmem>>, vector<16xi32>,
      %mul3A_115 = arith.constant 128 : i32
      %mul3A_116 = arith.muli %scan3A_91, %mul3A_115 : i32
      %add3A_117 = arith.constant 64 : i32
      %add3A_118 = arith.addi %mul3A_116, %add3A_117 : i32
      %swap3A_119 = arith.index_cast %add3A_118 : i32 to index
      %swap3A_120 = tpu.vector_load %arg5[%swap3A_119] {strides = array<i32>} : memref<106496xi32, #tpu.memory_space<vmem>>, vector<16xi32>,
      tpu.vector_store %arg5[%swap3A_119], %broadcast_in_dim3A_1 {strides = array<i32>} : memref<106496xi32, #tpu.memory_space<vmem>>, vector<16xi32>,
      %mul3A_121 = arith.constant 128 : i32
      %mul3A_122 = arith.muli %scan3A_91, %mul3A_121 : i32
      %add3A_123 = arith.constant 80 : i32
      %add3A_124 = arith.addi %mul3A_122, %add3A_123 : i32
      %swap3A_125 = arith.index_cast %add3A_124 : i32 to index
      %swap3A_126 = tpu.vector_load %arg5[%swap3A_125] {strides = array<i32>} : memref<106496xi32, #tpu.memory_space<vmem>>, vector<16xi32>,
      tpu.vector_store %arg5[%swap3A_125], %broadcast_in_dim3A_1 {strides = array<i32>} : memref<106496xi32, #tpu.memory_space<vmem>>, vector<16xi32>,
      %mul3A_127 = arith.constant 128 : i32
      %mul3A_128 = arith.muli %scan3A_91, %mul3A_127 : i32
      %add3A_129 = arith.constant 96 : i32
      %add3A_130 = arith.addi %mul3A_128, %add3A_129 : i32
      %swap3A_131 = arith.index_cast %add3A_130 : i32 to index
      %swap3A_132 = tpu.vector_load %arg5[%swap3A_131] {strides = array<i32>} : memref<106496xi32, #tpu.memory_space<vmem>>, vector<16xi32>,
      tpu.vector_store %arg5[%swap3A_131], %broadcast_in_dim3A_1 {strides = array<i32>} : memref<106496xi32, #tpu.memory_space<vmem>>, vector<16xi32>,
      %mul3A_133 = arith.constant 128 : i32
      %mul3A_134 = arith.muli %scan3A_91, %mul3A_133 : i32
      %add3A_135 = arith.constant 112 : i32
      %add3A_136 = arith.addi %mul3A_134, %add3A_135 : i32
      %swap3A_137 = arith.index_cast %add3A_136 : i32 to index
      %swap3A_138 = tpu.vector_load %arg5[%swap3A_137] {strides = array<i32>} : memref<106496xi32, #tpu.memory_space<vmem>>, vector<16xi32>,
      tpu.vector_store %arg5[%swap3A_137], %broadcast_in_dim3A_1 {strides = array<i32>} : memref<106496xi32, #tpu.memory_space<vmem>>, vector<16xi32>,
    }
    %scan3A_30 = arith.constant 832 : i32
    %scan3A_31 = arith.constant 0 : i32
    %scan3A_32 = arith.constant 0 : i32
    %scan3A_33 = arith.constant 32 : i32
    %scan3A_34 = arith.addi %scan3A_32, %scan3A_33 : i32
    %scan3A_35 = arith.constant 1 : i32
    scf.for %scan3A_91 = %scan3A_32 to %scan3A_34 step %scan3A_35  : i32 {
      %mul3A_92 = arith.constant 8192 : i32
      %mul3A_93 = arith.muli %scan3A_91, %mul3A_92 : i32
      "tpu.region"() ({
        %run_scoped3A = tpu.sem_alloc : memref<!tpu.dma_semaphore, #tpu.memory_space<semaphore_mem>>
        %dma_start3A = tpu.memref_slice %arg2[%mul3A_93] : memref<262144xi32, #tpu.memory_space<hbm>> -> memref<8192xi32, #tpu.memory_space<hbm>>
        %dma_start3A_100 = tpu.memref_slice %arg2[%mul3A_93] : memref<262144xi32, #tpu.memory_space<hbm>> -> memref<8192xi32, #tpu.memory_space<hbm>>
        tpu.enqueue_dma source(%dma_start3A_100 : memref<8192xi32, #tpu.memory_space<hbm>>) target(%arg4 : memref<8192xi32, #tpu.memory_space<vmem>>) target_semaphore(%run_scoped3A : memref<!tpu.dma_semaphore, #tpu.memory_space<semaphore_mem>>)
        %dma_wait3A = tpu.memref_slice %arg2[%mul3A_93] : memref<262144xi32, #tpu.memory_space<hbm>> -> memref<8192xi32, #tpu.memory_space<hbm>>
        %dma_wait3A_101 = tpu.memref_slice %arg2[%mul3A_93] : memref<262144xi32, #tpu.memory_space<hbm>> -> memref<8192xi32, #tpu.memory_space<hbm>>
        tpu.wait_dma2 semaphore(%run_scoped3A : memref<!tpu.dma_semaphore, #tpu.memory_space<semaphore_mem>>) src(%dma_wait3A_101 : memref<8192xi32, #tpu.memory_space<hbm>>) dst(%arg4 : memref<8192xi32, #tpu.memory_space<vmem>>)
        tpu.yield
      }) : () -> ()
      %scan3A_94 = arith.constant 0 : i32
      %scan3A_95 = arith.constant 0 : i32
      %scan3A_96 = arith.constant 64 : i32
      %scan3A_97 = arith.addi %scan3A_95, %scan3A_96 : i32
      %scan3A_98 = arith.constant 1 : i32
      scf.for %scan3A_100 = %scan3A_95 to %scan3A_97 step %scan3A_98  : i32 {
        %mul3A_101 = arith.constant 128 : i32
        %mul3A_102 = arith.muli %scan3A_100, %mul3A_101 : i32
        %add3A_103 = arith.constant 0 : i32
        %add3A_104 = arith.addi %mul3A_102, %add3A_103 : i32
        %get3A = arith.index_cast %add3A_104 : i32 to index
        %get3A_105 = tpu.vector_load %arg4[%get3A] {strides = array<i32>} : memref<8192xi32, #tpu.memory_space<vmem>>, vector<16xi32>,
        %sub3A = vector.broadcast %mul3A_24 : i32 to vector<16xi32>
        %sub3A_106 = arith.subi %get3A_105, %sub3A : vector<16xi32>
        %ge3A = arith.constant 0 : i32
        %ge3A_107 = vector.broadcast %ge3A : i32 to vector<16xi32>
        %ge3A_108 = arith.cmpi sge, %sub3A_106, %ge3A_107 : vector<16xi32>
        %lt3A = arith.constant 106496 : i32
        %lt3A_109 = vector.broadcast %lt3A : i32 to vector<16xi32>
        %lt3A_110 = arith.cmpi slt, %sub3A_106, %lt3A_109 : vector<16xi32>
        %and3A = arith.andi %ge3A_108, %lt3A_110 : vector<16xi1>
        %unique3A, %unique3A_111 = tpu.scan_count mask(%and3A : vector<16xi1>) value(%sub3A_106 : vector<16xi32>) : vector<16xi1>, vector<16xi32>
        %and3A_112 = arith.andi %unique3A, %and3A : vector<16xi1>
        %mul3A_113 = arith.constant 128 : i32
        %mul3A_114 = arith.muli %scan3A_100, %mul3A_113 : i32
        %add3A_115 = arith.constant 16 : i32
        %add3A_116 = arith.addi %mul3A_114, %add3A_115 : i32
        %get3A_117 = arith.index_cast %add3A_116 : i32 to index
        %get3A_118 = tpu.vector_load %arg4[%get3A_117] {strides = array<i32>} : memref<8192xi32, #tpu.memory_space<vmem>>, vector<16xi32>,
        %sub3A_119 = vector.broadcast %mul3A_24 : i32 to vector<16xi32>
        %sub3A_120 = arith.subi %get3A_118, %sub3A_119 : vector<16xi32>
        %ge3A_121 = arith.constant 0 : i32
        %ge3A_122 = vector.broadcast %ge3A_121 : i32 to vector<16xi32>
        %ge3A_123 = arith.cmpi sge, %sub3A_120, %ge3A_122 : vector<16xi32>
        %lt3A_124 = arith.constant 106496 : i32
        %lt3A_125 = vector.broadcast %lt3A_124 : i32 to vector<16xi32>
        %lt3A_126 = arith.cmpi slt, %sub3A_120, %lt3A_125 : vector<16xi32>
        %and3A_127 = arith.andi %ge3A_123, %lt3A_126 : vector<16xi1>
        %unique3A_128, %unique3A_129 = tpu.scan_count mask(%and3A_127 : vector<16xi1>) value(%sub3A_120 : vector<16xi32>) : vector<16xi1>, vector<16xi32>
        %and3A_130 = arith.andi %unique3A_128, %and3A_127 : vector<16xi1>
        %mul3A_131 = arith.constant 128 : i32
        %mul3A_132 = arith.muli %scan3A_100, %mul3A_131 : i32
        %add3A_133 = arith.constant 32 : i32
        %add3A_134 = arith.addi %mul3A_132, %add3A_133 : i32
        %get3A_135 = arith.index_cast %add3A_134 : i32 to index
        %get3A_136 = tpu.vector_load %arg4[%get3A_135] {strides = array<i32>} : memref<8192xi32, #tpu.memory_space<vmem>>, vector<16xi32>,
        %sub3A_137 = vector.broadcast %mul3A_24 : i32 to vector<16xi32>
        %sub3A_138 = arith.subi %get3A_136, %sub3A_137 : vector<16xi32>
        %ge3A_139 = arith.constant 0 : i32
        %ge3A_140 = vector.broadcast %ge3A_139 : i32 to vector<16xi32>
        %ge3A_141 = arith.cmpi sge, %sub3A_138, %ge3A_140 : vector<16xi32>
        %lt3A_142 = arith.constant 106496 : i32
        %lt3A_143 = vector.broadcast %lt3A_142 : i32 to vector<16xi32>
        %lt3A_144 = arith.cmpi slt, %sub3A_138, %lt3A_143 : vector<16xi32>
        %and3A_145 = arith.andi %ge3A_141, %lt3A_144 : vector<16xi1>
        %unique3A_146, %unique3A_147 = tpu.scan_count mask(%and3A_145 : vector<16xi1>) value(%sub3A_138 : vector<16xi32>) : vector<16xi1>, vector<16xi32>
        %and3A_148 = arith.andi %unique3A_146, %and3A_145 : vector<16xi1>
        %mul3A_149 = arith.constant 128 : i32
        %mul3A_150 = arith.muli %scan3A_100, %mul3A_149 : i32
        %add3A_151 = arith.constant 48 : i32
        %add3A_152 = arith.addi %mul3A_150, %add3A_151 : i32
        %get3A_153 = arith.index_cast %add3A_152 : i32 to index
        %get3A_154 = tpu.vector_load %arg4[%get3A_153] {strides = array<i32>} : memref<8192xi32, #tpu.memory_space<vmem>>, vector<16xi32>,
        %sub3A_155 = vector.broadcast %mul3A_24 : i32 to vector<16xi32>
        %sub3A_156 = arith.subi %get3A_154, %sub3A_155 : vector<16xi32>
        %ge3A_157 = arith.constant 0 : i32
        %ge3A_158 = vector.broadcast %ge3A_157 : i32 to vector<16xi32>
        %ge3A_159 = arith.cmpi sge, %sub3A_156, %ge3A_158 : vector<16xi32>
        %lt3A_160 = arith.constant 106496 : i32
        %lt3A_161 = vector.broadcast %lt3A_160 : i32 to vector<16xi32>
        %lt3A_162 = arith.cmpi slt, %sub3A_156, %lt3A_161 : vector<16xi32>
        %and3A_163 = arith.andi %ge3A_159, %lt3A_162 : vector<16xi1>
        %unique3A_164, %unique3A_165 = tpu.scan_count mask(%and3A_163 : vector<16xi1>) value(%sub3A_156 : vector<16xi32>) : vector<16xi1>, vector<16xi32>
        %and3A_166 = arith.andi %unique3A_164, %and3A_163 : vector<16xi1>
        %mul3A_167 = arith.constant 128 : i32
        %mul3A_168 = arith.muli %scan3A_100, %mul3A_167 : i32
        %add3A_169 = arith.constant 64 : i32
        %add3A_170 = arith.addi %mul3A_168, %add3A_169 : i32
        %get3A_171 = arith.index_cast %add3A_170 : i32 to index
        %get3A_172 = tpu.vector_load %arg4[%get3A_171] {strides = array<i32>} : memref<8192xi32, #tpu.memory_space<vmem>>, vector<16xi32>,
        %sub3A_173 = vector.broadcast %mul3A_24 : i32 to vector<16xi32>
        %sub3A_174 = arith.subi %get3A_172, %sub3A_173 : vector<16xi32>
        %ge3A_175 = arith.constant 0 : i32
        %ge3A_176 = vector.broadcast %ge3A_175 : i32 to vector<16xi32>
        %ge3A_177 = arith.cmpi sge, %sub3A_174, %ge3A_176 : vector<16xi32>
        %lt3A_178 = arith.constant 106496 : i32
        %lt3A_179 = vector.broadcast %lt3A_178 : i32 to vector<16xi32>
        %lt3A_180 = arith.cmpi slt, %sub3A_174, %lt3A_179 : vector<16xi32>
        %and3A_181 = arith.andi %ge3A_177, %lt3A_180 : vector<16xi1>
        %unique3A_182, %unique3A_183 = tpu.scan_count mask(%and3A_181 : vector<16xi1>) value(%sub3A_174 : vector<16xi32>) : vector<16xi1>, vector<16xi32>
        %and3A_184 = arith.andi %unique3A_182, %and3A_181 : vector<16xi1>
        %mul3A_185 = arith.constant 128 : i32
        %mul3A_186 = arith.muli %scan3A_100, %mul3A_185 : i32
        %add3A_187 = arith.constant 80 : i32
        %add3A_188 = arith.addi %mul3A_186, %add3A_187 : i32
        %get3A_189 = arith.index_cast %add3A_188 : i32 to index
        %get3A_190 = tpu.vector_load %arg4[%get3A_189] {strides = array<i32>} : memref<8192xi32, #tpu.memory_space<vmem>>, vector<16xi32>,
        %sub3A_191 = vector.broadcast %mul3A_24 : i32 to vector<16xi32>
        %sub3A_192 = arith.subi %get3A_190, %sub3A_191 : vector<16xi32>
        %ge3A_193 = arith.constant 0 : i32
        %ge3A_194 = vector.broadcast %ge3A_193 : i32 to vector<16xi32>
        %ge3A_195 = arith.cmpi sge, %sub3A_192, %ge3A_194 : vector<16xi32>
        %lt3A_196 = arith.constant 106496 : i32
        %lt3A_197 = vector.broadcast %lt3A_196 : i32 to vector<16xi32>
        %lt3A_198 = arith.cmpi slt, %sub3A_192, %lt3A_197 : vector<16xi32>
        %and3A_199 = arith.andi %ge3A_195, %lt3A_198 : vector<16xi1>
        %unique3A_200, %unique3A_201 = tpu.scan_count mask(%and3A_199 : vector<16xi1>) value(%sub3A_192 : vector<16xi32>) : vector<16xi1>, vector<16xi32>
        %and3A_202 = arith.andi %unique3A_200, %and3A_199 : vector<16xi1>
        %mul3A_203 = arith.constant 128 : i32
        %mul3A_204 = arith.muli %scan3A_100, %mul3A_203 : i32
        %add3A_205 = arith.constant 96 : i32
        %add3A_206 = arith.addi %mul3A_204, %add3A_205 : i32
        %get3A_207 = arith.index_cast %add3A_206 : i32 to index
        %get3A_208 = tpu.vector_load %arg4[%get3A_207] {strides = array<i32>} : memref<8192xi32, #tpu.memory_space<vmem>>, vector<16xi32>,
        %sub3A_209 = vector.broadcast %mul3A_24 : i32 to vector<16xi32>
        %sub3A_210 = arith.subi %get3A_208, %sub3A_209 : vector<16xi32>
        %ge3A_211 = arith.constant 0 : i32
        %ge3A_212 = vector.broadcast %ge3A_211 : i32 to vector<16xi32>
        %ge3A_213 = arith.cmpi sge, %sub3A_210, %ge3A_212 : vector<16xi32>
        %lt3A_214 = arith.constant 106496 : i32
        %lt3A_215 = vector.broadcast %lt3A_214 : i32 to vector<16xi32>
        %lt3A_216 = arith.cmpi slt, %sub3A_210, %lt3A_215 : vector<16xi32>
        %and3A_217 = arith.andi %ge3A_213, %lt3A_216 : vector<16xi1>
        %unique3A_218, %unique3A_219 = tpu.scan_count mask(%and3A_217 : vector<16xi1>) value(%sub3A_210 : vector<16xi32>) : vector<16xi1>, vector<16xi32>
        %and3A_220 = arith.andi %unique3A_218, %and3A_217 : vector<16xi1>
        %mul3A_221 = arith.constant 128 : i32
        %mul3A_222 = arith.muli %scan3A_100, %mul3A_221 : i32
        %add3A_223 = arith.constant 112 : i32
        %add3A_224 = arith.addi %mul3A_222, %add3A_223 : i32
        %get3A_225 = arith.index_cast %add3A_224 : i32 to index
        %get3A_226 = tpu.vector_load %arg4[%get3A_225] {strides = array<i32>} : memref<8192xi32, #tpu.memory_space<vmem>>, vector<16xi32>,
        %sub3A_227 = vector.broadcast %mul3A_24 : i32 to vector<16xi32>
        %sub3A_228 = arith.subi %get3A_226, %sub3A_227 : vector<16xi32>
        %ge3A_229 = arith.constant 0 : i32
        %ge3A_230 = vector.broadcast %ge3A_229 : i32 to vector<16xi32>
        %ge3A_231 = arith.cmpi sge, %sub3A_228, %ge3A_230 : vector<16xi32>
        %lt3A_232 = arith.constant 106496 : i32
        %lt3A_233 = vector.broadcast %lt3A_232 : i32 to vector<16xi32>
        %lt3A_234 = arith.cmpi slt, %sub3A_228, %lt3A_233 : vector<16xi32>
        %and3A_235 = arith.andi %ge3A_231, %lt3A_234 : vector<16xi1>
        %unique3A_236, %unique3A_237 = tpu.scan_count mask(%and3A_235 : vector<16xi1>) value(%sub3A_228 : vector<16xi32>) : vector<16xi1>, vector<16xi32>
        %and3A_238 = arith.andi %unique3A_236, %and3A_235 : vector<16xi1>
        tpu.vector_store_idx %arg5[%sub3A_106], %unique3A_111 masked %and3A_112 {add = true} : memref<106496xi32, #tpu.memory_space<vmem>>[vector<16xi32>], vector<16xi32>, vector<16xi1>
        tpu.vector_store_idx %arg5[%sub3A_120], %unique3A_129 masked %and3A_130 {add = true} : memref<106496xi32, #tpu.memory_space<vmem>>[vector<16xi32>], vector<16xi32>, vector<16xi1>
        tpu.vector_store_idx %arg5[%sub3A_138], %unique3A_147 masked %and3A_148 {add = true} : memref<106496xi32, #tpu.memory_space<vmem>>[vector<16xi32>], vector<16xi32>, vector<16xi1>
        tpu.vector_store_idx %arg5[%sub3A_156], %unique3A_165 masked %and3A_166 {add = true} : memref<106496xi32, #tpu.memory_space<vmem>>[vector<16xi32>], vector<16xi32>, vector<16xi1>
        tpu.vector_store_idx %arg5[%sub3A_174], %unique3A_183 masked %and3A_184 {add = true} : memref<106496xi32, #tpu.memory_space<vmem>>[vector<16xi32>], vector<16xi32>, vector<16xi1>
        tpu.vector_store_idx %arg5[%sub3A_192], %unique3A_201 masked %and3A_202 {add = true} : memref<106496xi32, #tpu.memory_space<vmem>>[vector<16xi32>], vector<16xi32>, vector<16xi1>
        tpu.vector_store_idx %arg5[%sub3A_210], %unique3A_219 masked %and3A_220 {add = true} : memref<106496xi32, #tpu.memory_space<vmem>>[vector<16xi32>], vector<16xi32>, vector<16xi1>
        tpu.vector_store_idx %arg5[%sub3A_228], %unique3A_237 masked %and3A_238 {add = true} : memref<106496xi32, #tpu.memory_space<vmem>>[vector<16xi32>], vector<16xi32>, vector<16xi1>
      }
      %scan3A_99 = arith.constant 64 : i32
    }
    %scan3A_36 = arith.constant 32 : i32
    "tpu.region"() ({
      %run_scoped3A = tpu.sem_alloc : memref<!tpu.dma_semaphore, #tpu.memory_space<semaphore_mem>>
      %dma_start3A = tpu.memref_slice %arg3[%mul3A_24] : memref<17039360xi32, #tpu.memory_space<hbm>> -> memref<106496xi32, #tpu.memory_space<hbm>>
      %dma_start3A_91 = tpu.memref_slice %arg3[%mul3A_24] : memref<17039360xi32, #tpu.memory_space<hbm>> -> memref<106496xi32, #tpu.memory_space<hbm>>
      tpu.enqueue_dma source(%arg5 : memref<106496xi32, #tpu.memory_space<vmem>>) target(%dma_start3A_91 : memref<106496xi32, #tpu.memory_space<hbm>>) target_semaphore(%run_scoped3A : memref<!tpu.dma_semaphore, #tpu.memory_space<semaphore_mem>>)
      %dma_wait3A = tpu.memref_slice %arg3[%mul3A_24] : memref<17039360xi32, #tpu.memory_space<hbm>> -> memref<106496xi32, #tpu.memory_space<hbm>>
      %dma_wait3A_92 = tpu.memref_slice %arg3[%mul3A_24] : memref<17039360xi32, #tpu.memory_space<hbm>> -> memref<106496xi32, #tpu.memory_space<hbm>>
      tpu.wait_dma2 semaphore(%run_scoped3A : memref<!tpu.dma_semaphore, #tpu.memory_space<semaphore_mem>>) src(%arg5 : memref<106496xi32, #tpu.memory_space<vmem>>) dst(%dma_wait3A_92 : memref<106496xi32, #tpu.memory_space<hbm>>)
      tpu.yield
    }) : () -> ()
    %mul3A_37 = arith.constant 52 : i32
    %mul3A_38 = arith.muli %add3A, %mul3A_37 : i32
    %add3A_39 = arith.constant 3328 : i32
    %add3A_40 = arith.addi %add3A_39, %mul3A_38 : i32
    %mul3A_41 = arith.constant 2048 : i32
    %mul3A_42 = arith.muli %add3A_40, %mul3A_41 : i32
    %scan3A_43 = arith.constant 0 : i32
    %scan3A_44 = arith.constant 0 : i32
    %scan3A_45 = arith.constant 832 : i32
    %scan3A_46 = arith.addi %scan3A_44, %scan3A_45 : i32
    %scan3A_47 = arith.constant 1 : i32
    scf.for %scan3A_91 = %scan3A_44 to %scan3A_46 step %scan3A_47  : i32 {
      %mul3A_92 = arith.constant 128 : i32
      %mul3A_93 = arith.muli %scan3A_91, %mul3A_92 : i32
      %add3A_94 = arith.constant 0 : i32
      %add3A_95 = arith.addi %mul3A_93, %add3A_94 : i32
      %swap3A = arith.index_cast %add3A_95 : i32 to index
      %swap3A_96 = tpu.vector_load %arg5[%swap3A] {strides = array<i32>} : memref<106496xi32, #tpu.memory_space<vmem>>, vector<16xi32>,
      tpu.vector_store %arg5[%swap3A], %broadcast_in_dim3A_1 {strides = array<i32>} : memref<106496xi32, #tpu.memory_space<vmem>>, vector<16xi32>,
      %mul3A_97 = arith.constant 128 : i32
      %mul3A_98 = arith.muli %scan3A_91, %mul3A_97 : i32
      %add3A_99 = arith.constant 16 : i32
      %add3A_100 = arith.addi %mul3A_98, %add3A_99 : i32
      %swap3A_101 = arith.index_cast %add3A_100 : i32 to index
      %swap3A_102 = tpu.vector_load %arg5[%swap3A_101] {strides = array<i32>} : memref<106496xi32, #tpu.memory_space<vmem>>, vector<16xi32>,
      tpu.vector_store %arg5[%swap3A_101], %broadcast_in_dim3A_1 {strides = array<i32>} : memref<106496xi32, #tpu.memory_space<vmem>>, vector<16xi32>,
      %mul3A_103 = arith.constant 128 : i32
      %mul3A_104 = arith.muli %scan3A_91, %mul3A_103 : i32
      %add3A_105 = arith.constant 32 : i32
      %add3A_106 = arith.addi %mul3A_104, %add3A_105 : i32
      %swap3A_107 = arith.index_cast %add3A_106 : i32 to index
      %swap3A_108 = tpu.vector_load %arg5[%swap3A_107] {strides = array<i32>} : memref<106496xi32, #tpu.memory_space<vmem>>, vector<16xi32>,
      tpu.vector_store %arg5[%swap3A_107], %broadcast_in_dim3A_1 {strides = array<i32>} : memref<106496xi32, #tpu.memory_space<vmem>>, vector<16xi32>,
      %mul3A_109 = arith.constant 128 : i32
      %mul3A_110 = arith.muli %scan3A_91, %mul3A_109 : i32
      %add3A_111 = arith.constant 48 : i32
      %add3A_112 = arith.addi %mul3A_110, %add3A_111 : i32
      %swap3A_113 = arith.index_cast %add3A_112 : i32 to index
      %swap3A_114 = tpu.vector_load %arg5[%swap3A_113] {strides = array<i32>} : memref<106496xi32, #tpu.memory_space<vmem>>, vector<16xi32>,
      tpu.vector_store %arg5[%swap3A_113], %broadcast_in_dim3A_1 {strides = array<i32>} : memref<106496xi32, #tpu.memory_space<vmem>>, vector<16xi32>,
      %mul3A_115 = arith.constant 128 : i32
      %mul3A_116 = arith.muli %scan3A_91, %mul3A_115 : i32
      %add3A_117 = arith.constant 64 : i32
      %add3A_118 = arith.addi %mul3A_116, %add3A_117 : i32
      %swap3A_119 = arith.index_cast %add3A_118 : i32 to index
      %swap3A_120 = tpu.vector_load %arg5[%swap3A_119] {strides = array<i32>} : memref<106496xi32, #tpu.memory_space<vmem>>, vector<16xi32>,
      tpu.vector_store %arg5[%swap3A_119], %broadcast_in_dim3A_1 {strides = array<i32>} : memref<106496xi32, #tpu.memory_space<vmem>>, vector<16xi32>,
      %mul3A_121 = arith.constant 128 : i32
      %mul3A_122 = arith.muli %scan3A_91, %mul3A_121 : i32
      %add3A_123 = arith.constant 80 : i32
      %add3A_124 = arith.addi %mul3A_122, %add3A_123 : i32
      %swap3A_125 = arith.index_cast %add3A_124 : i32 to index
      %swap3A_126 = tpu.vector_load %arg5[%swap3A_125] {strides = array<i32>} : memref<106496xi32, #tpu.memory_space<vmem>>, vector<16xi32>,
      tpu.vector_store %arg5[%swap3A_125], %broadcast_in_dim3A_1 {strides = array<i32>} : memref<106496xi32, #tpu.memory_space<vmem>>, vector<16xi32>,
      %mul3A_127 = arith.constant 128 : i32
      %mul3A_128 = arith.muli %scan3A_91, %mul3A_127 : i32
      %add3A_129 = arith.constant 96 : i32
      %add3A_130 = arith.addi %mul3A_128, %add3A_129 : i32
      %swap3A_131 = arith.index_cast %add3A_130 : i32 to index
      %swap3A_132 = tpu.vector_load %arg5[%swap3A_131] {strides = array<i32>} : memref<106496xi32, #tpu.memory_space<vmem>>, vector<16xi32>,
      tpu.vector_store %arg5[%swap3A_131], %broadcast_in_dim3A_1 {strides = array<i32>} : memref<106496xi32, #tpu.memory_space<vmem>>, vector<16xi32>,
      %mul3A_133 = arith.constant 128 : i32
      %mul3A_134 = arith.muli %scan3A_91, %mul3A_133 : i32
      %add3A_135 = arith.constant 112 : i32
      %add3A_136 = arith.addi %mul3A_134, %add3A_135 : i32
      %swap3A_137 = arith.index_cast %add3A_136 : i32 to index
      %swap3A_138 = tpu.vector_load %arg5[%swap3A_137] {strides = array<i32>} : memref<106496xi32, #tpu.memory_space<vmem>>, vector<16xi32>,
      tpu.vector_store %arg5[%swap3A_137], %broadcast_in_dim3A_1 {strides = array<i32>} : memref<106496xi32, #tpu.memory_space<vmem>>, vector<16xi32>,
    }
    %scan3A_48 = arith.constant 832 : i32
    %scan3A_49 = arith.constant 0 : i32
    %scan3A_50 = arith.constant 0 : i32
    %scan3A_51 = arith.constant 32 : i32
    %scan3A_52 = arith.addi %scan3A_50, %scan3A_51 : i32
    %scan3A_53 = arith.constant 1 : i32
    scf.for %scan3A_91 = %scan3A_50 to %scan3A_52 step %scan3A_53  : i32 {
      %mul3A_92 = arith.constant 8192 : i32
      %mul3A_93 = arith.muli %scan3A_91, %mul3A_92 : i32
      "tpu.region"() ({
        %run_scoped3A = tpu.sem_alloc : memref<!tpu.dma_semaphore, #tpu.memory_space<semaphore_mem>>
        %dma_start3A = tpu.memref_slice %arg2[%mul3A_93] : memref<262144xi32, #tpu.memory_space<hbm>> -> memref<8192xi32, #tpu.memory_space<hbm>>
        %dma_start3A_100 = tpu.memref_slice %arg2[%mul3A_93] : memref<262144xi32, #tpu.memory_space<hbm>> -> memref<8192xi32, #tpu.memory_space<hbm>>
        tpu.enqueue_dma source(%dma_start3A_100 : memref<8192xi32, #tpu.memory_space<hbm>>) target(%arg4 : memref<8192xi32, #tpu.memory_space<vmem>>) target_semaphore(%run_scoped3A : memref<!tpu.dma_semaphore, #tpu.memory_space<semaphore_mem>>)
        %dma_wait3A = tpu.memref_slice %arg2[%mul3A_93] : memref<262144xi32, #tpu.memory_space<hbm>> -> memref<8192xi32, #tpu.memory_space<hbm>>
        %dma_wait3A_101 = tpu.memref_slice %arg2[%mul3A_93] : memref<262144xi32, #tpu.memory_space<hbm>> -> memref<8192xi32, #tpu.memory_space<hbm>>
        tpu.wait_dma2 semaphore(%run_scoped3A : memref<!tpu.dma_semaphore, #tpu.memory_space<semaphore_mem>>) src(%dma_wait3A_101 : memref<8192xi32, #tpu.memory_space<hbm>>) dst(%arg4 : memref<8192xi32, #tpu.memory_space<vmem>>)
        tpu.yield
      }) : () -> ()
      %scan3A_94 = arith.constant 0 : i32
      %scan3A_95 = arith.constant 0 : i32
      %scan3A_96 = arith.constant 64 : i32
      %scan3A_97 = arith.addi %scan3A_95, %scan3A_96 : i32
      %scan3A_98 = arith.constant 1 : i32
      scf.for %scan3A_100 = %scan3A_95 to %scan3A_97 step %scan3A_98  : i32 {
        %mul3A_101 = arith.constant 128 : i32
        %mul3A_102 = arith.muli %scan3A_100, %mul3A_101 : i32
        %add3A_103 = arith.constant 0 : i32
        %add3A_104 = arith.addi %mul3A_102, %add3A_103 : i32
        %get3A = arith.index_cast %add3A_104 : i32 to index
        %get3A_105 = tpu.vector_load %arg4[%get3A] {strides = array<i32>} : memref<8192xi32, #tpu.memory_space<vmem>>, vector<16xi32>,
        %sub3A = vector.broadcast %mul3A_42 : i32 to vector<16xi32>
        %sub3A_106 = arith.subi %get3A_105, %sub3A : vector<16xi32>
        %ge3A = arith.constant 0 : i32
        %ge3A_107 = vector.broadcast %ge3A : i32 to vector<16xi32>
        %ge3A_108 = arith.cmpi sge, %sub3A_106, %ge3A_107 : vector<16xi32>
        %lt3A = arith.constant 106496 : i32
        %lt3A_109 = vector.broadcast %lt3A : i32 to vector<16xi32>
        %lt3A_110 = arith.cmpi slt, %sub3A_106, %lt3A_109 : vector<16xi32>
        %and3A = arith.andi %ge3A_108, %lt3A_110 : vector<16xi1>
        %unique3A, %unique3A_111 = tpu.scan_count mask(%and3A : vector<16xi1>) value(%sub3A_106 : vector<16xi32>) : vector<16xi1>, vector<16xi32>
        %and3A_112 = arith.andi %unique3A, %and3A : vector<16xi1>
        %mul3A_113 = arith.constant 128 : i32
        %mul3A_114 = arith.muli %scan3A_100, %mul3A_113 : i32
        %add3A_115 = arith.constant 16 : i32
        %add3A_116 = arith.addi %mul3A_114, %add3A_115 : i32
        %get3A_117 = arith.index_cast %add3A_116 : i32 to index
        %get3A_118 = tpu.vector_load %arg4[%get3A_117] {strides = array<i32>} : memref<8192xi32, #tpu.memory_space<vmem>>, vector<16xi32>,
        %sub3A_119 = vector.broadcast %mul3A_42 : i32 to vector<16xi32>
        %sub3A_120 = arith.subi %get3A_118, %sub3A_119 : vector<16xi32>
        %ge3A_121 = arith.constant 0 : i32
        %ge3A_122 = vector.broadcast %ge3A_121 : i32 to vector<16xi32>
        %ge3A_123 = arith.cmpi sge, %sub3A_120, %ge3A_122 : vector<16xi32>
        %lt3A_124 = arith.constant 106496 : i32
        %lt3A_125 = vector.broadcast %lt3A_124 : i32 to vector<16xi32>
        %lt3A_126 = arith.cmpi slt, %sub3A_120, %lt3A_125 : vector<16xi32>
        %and3A_127 = arith.andi %ge3A_123, %lt3A_126 : vector<16xi1>
        %unique3A_128, %unique3A_129 = tpu.scan_count mask(%and3A_127 : vector<16xi1>) value(%sub3A_120 : vector<16xi32>) : vector<16xi1>, vector<16xi32>
        %and3A_130 = arith.andi %unique3A_128, %and3A_127 : vector<16xi1>
        %mul3A_131 = arith.constant 128 : i32
        %mul3A_132 = arith.muli %scan3A_100, %mul3A_131 : i32
        %add3A_133 = arith.constant 32 : i32
        %add3A_134 = arith.addi %mul3A_132, %add3A_133 : i32
        %get3A_135 = arith.index_cast %add3A_134 : i32 to index
        %get3A_136 = tpu.vector_load %arg4[%get3A_135] {strides = array<i32>} : memref<8192xi32, #tpu.memory_space<vmem>>, vector<16xi32>,
        %sub3A_137 = vector.broadcast %mul3A_42 : i32 to vector<16xi32>
        %sub3A_138 = arith.subi %get3A_136, %sub3A_137 : vector<16xi32>
        %ge3A_139 = arith.constant 0 : i32
        %ge3A_140 = vector.broadcast %ge3A_139 : i32 to vector<16xi32>
        %ge3A_141 = arith.cmpi sge, %sub3A_138, %ge3A_140 : vector<16xi32>
        %lt3A_142 = arith.constant 106496 : i32
        %lt3A_143 = vector.broadcast %lt3A_142 : i32 to vector<16xi32>
        %lt3A_144 = arith.cmpi slt, %sub3A_138, %lt3A_143 : vector<16xi32>
        %and3A_145 = arith.andi %ge3A_141, %lt3A_144 : vector<16xi1>
        %unique3A_146, %unique3A_147 = tpu.scan_count mask(%and3A_145 : vector<16xi1>) value(%sub3A_138 : vector<16xi32>) : vector<16xi1>, vector<16xi32>
        %and3A_148 = arith.andi %unique3A_146, %and3A_145 : vector<16xi1>
        %mul3A_149 = arith.constant 128 : i32
        %mul3A_150 = arith.muli %scan3A_100, %mul3A_149 : i32
        %add3A_151 = arith.constant 48 : i32
        %add3A_152 = arith.addi %mul3A_150, %add3A_151 : i32
        %get3A_153 = arith.index_cast %add3A_152 : i32 to index
        %get3A_154 = tpu.vector_load %arg4[%get3A_153] {strides = array<i32>} : memref<8192xi32, #tpu.memory_space<vmem>>, vector<16xi32>,
        %sub3A_155 = vector.broadcast %mul3A_42 : i32 to vector<16xi32>
        %sub3A_156 = arith.subi %get3A_154, %sub3A_155 : vector<16xi32>
        %ge3A_157 = arith.constant 0 : i32
        %ge3A_158 = vector.broadcast %ge3A_157 : i32 to vector<16xi32>
        %ge3A_159 = arith.cmpi sge, %sub3A_156, %ge3A_158 : vector<16xi32>
        %lt3A_160 = arith.constant 106496 : i32
        %lt3A_161 = vector.broadcast %lt3A_160 : i32 to vector<16xi32>
        %lt3A_162 = arith.cmpi slt, %sub3A_156, %lt3A_161 : vector<16xi32>
        %and3A_163 = arith.andi %ge3A_159, %lt3A_162 : vector<16xi1>
        %unique3A_164, %unique3A_165 = tpu.scan_count mask(%and3A_163 : vector<16xi1>) value(%sub3A_156 : vector<16xi32>) : vector<16xi1>, vector<16xi32>
        %and3A_166 = arith.andi %unique3A_164, %and3A_163 : vector<16xi1>
        %mul3A_167 = arith.constant 128 : i32
        %mul3A_168 = arith.muli %scan3A_100, %mul3A_167 : i32
        %add3A_169 = arith.constant 64 : i32
        %add3A_170 = arith.addi %mul3A_168, %add3A_169 : i32
        %get3A_171 = arith.index_cast %add3A_170 : i32 to index
        %get3A_172 = tpu.vector_load %arg4[%get3A_171] {strides = array<i32>} : memref<8192xi32, #tpu.memory_space<vmem>>, vector<16xi32>,
        %sub3A_173 = vector.broadcast %mul3A_42 : i32 to vector<16xi32>
        %sub3A_174 = arith.subi %get3A_172, %sub3A_173 : vector<16xi32>
        %ge3A_175 = arith.constant 0 : i32
        %ge3A_176 = vector.broadcast %ge3A_175 : i32 to vector<16xi32>
        %ge3A_177 = arith.cmpi sge, %sub3A_174, %ge3A_176 : vector<16xi32>
        %lt3A_178 = arith.constant 106496 : i32
        %lt3A_179 = vector.broadcast %lt3A_178 : i32 to vector<16xi32>
        %lt3A_180 = arith.cmpi slt, %sub3A_174, %lt3A_179 : vector<16xi32>
        %and3A_181 = arith.andi %ge3A_177, %lt3A_180 : vector<16xi1>
        %unique3A_182, %unique3A_183 = tpu.scan_count mask(%and3A_181 : vector<16xi1>) value(%sub3A_174 : vector<16xi32>) : vector<16xi1>, vector<16xi32>
        %and3A_184 = arith.andi %unique3A_182, %and3A_181 : vector<16xi1>
        %mul3A_185 = arith.constant 128 : i32
        %mul3A_186 = arith.muli %scan3A_100, %mul3A_185 : i32
        %add3A_187 = arith.constant 80 : i32
        %add3A_188 = arith.addi %mul3A_186, %add3A_187 : i32
        %get3A_189 = arith.index_cast %add3A_188 : i32 to index
        %get3A_190 = tpu.vector_load %arg4[%get3A_189] {strides = array<i32>} : memref<8192xi32, #tpu.memory_space<vmem>>, vector<16xi32>,
        %sub3A_191 = vector.broadcast %mul3A_42 : i32 to vector<16xi32>
        %sub3A_192 = arith.subi %get3A_190, %sub3A_191 : vector<16xi32>
        %ge3A_193 = arith.constant 0 : i32
        %ge3A_194 = vector.broadcast %ge3A_193 : i32 to vector<16xi32>
        %ge3A_195 = arith.cmpi sge, %sub3A_192, %ge3A_194 : vector<16xi32>
        %lt3A_196 = arith.constant 106496 : i32
        %lt3A_197 = vector.broadcast %lt3A_196 : i32 to vector<16xi32>
        %lt3A_198 = arith.cmpi slt, %sub3A_192, %lt3A_197 : vector<16xi32>
        %and3A_199 = arith.andi %ge3A_195, %lt3A_198 : vector<16xi1>
        %unique3A_200, %unique3A_201 = tpu.scan_count mask(%and3A_199 : vector<16xi1>) value(%sub3A_192 : vector<16xi32>) : vector<16xi1>, vector<16xi32>
        %and3A_202 = arith.andi %unique3A_200, %and3A_199 : vector<16xi1>
        %mul3A_203 = arith.constant 128 : i32
        %mul3A_204 = arith.muli %scan3A_100, %mul3A_203 : i32
        %add3A_205 = arith.constant 96 : i32
        %add3A_206 = arith.addi %mul3A_204, %add3A_205 : i32
        %get3A_207 = arith.index_cast %add3A_206 : i32 to index
        %get3A_208 = tpu.vector_load %arg4[%get3A_207] {strides = array<i32>} : memref<8192xi32, #tpu.memory_space<vmem>>, vector<16xi32>,
        %sub3A_209 = vector.broadcast %mul3A_42 : i32 to vector<16xi32>
        %sub3A_210 = arith.subi %get3A_208, %sub3A_209 : vector<16xi32>
        %ge3A_211 = arith.constant 0 : i32
        %ge3A_212 = vector.broadcast %ge3A_211 : i32 to vector<16xi32>
        %ge3A_213 = arith.cmpi sge, %sub3A_210, %ge3A_212 : vector<16xi32>
        %lt3A_214 = arith.constant 106496 : i32
        %lt3A_215 = vector.broadcast %lt3A_214 : i32 to vector<16xi32>
        %lt3A_216 = arith.cmpi slt, %sub3A_210, %lt3A_215 : vector<16xi32>
        %and3A_217 = arith.andi %ge3A_213, %lt3A_216 : vector<16xi1>
        %unique3A_218, %unique3A_219 = tpu.scan_count mask(%and3A_217 : vector<16xi1>) value(%sub3A_210 : vector<16xi32>) : vector<16xi1>, vector<16xi32>
        %and3A_220 = arith.andi %unique3A_218, %and3A_217 : vector<16xi1>
        %mul3A_221 = arith.constant 128 : i32
        %mul3A_222 = arith.muli %scan3A_100, %mul3A_221 : i32
        %add3A_223 = arith.constant 112 : i32
        %add3A_224 = arith.addi %mul3A_222, %add3A_223 : i32
        %get3A_225 = arith.index_cast %add3A_224 : i32 to index
        %get3A_226 = tpu.vector_load %arg4[%get3A_225] {strides = array<i32>} : memref<8192xi32, #tpu.memory_space<vmem>>, vector<16xi32>,
        %sub3A_227 = vector.broadcast %mul3A_42 : i32 to vector<16xi32>
        %sub3A_228 = arith.subi %get3A_226, %sub3A_227 : vector<16xi32>
        %ge3A_229 = arith.constant 0 : i32
        %ge3A_230 = vector.broadcast %ge3A_229 : i32 to vector<16xi32>
        %ge3A_231 = arith.cmpi sge, %sub3A_228, %ge3A_230 : vector<16xi32>
        %lt3A_232 = arith.constant 106496 : i32
        %lt3A_233 = vector.broadcast %lt3A_232 : i32 to vector<16xi32>
        %lt3A_234 = arith.cmpi slt, %sub3A_228, %lt3A_233 : vector<16xi32>
        %and3A_235 = arith.andi %ge3A_231, %lt3A_234 : vector<16xi1>
        %unique3A_236, %unique3A_237 = tpu.scan_count mask(%and3A_235 : vector<16xi1>) value(%sub3A_228 : vector<16xi32>) : vector<16xi1>, vector<16xi32>
        %and3A_238 = arith.andi %unique3A_236, %and3A_235 : vector<16xi1>
        tpu.vector_store_idx %arg5[%sub3A_106], %unique3A_111 masked %and3A_112 {add = true} : memref<106496xi32, #tpu.memory_space<vmem>>[vector<16xi32>], vector<16xi32>, vector<16xi1>
        tpu.vector_store_idx %arg5[%sub3A_120], %unique3A_129 masked %and3A_130 {add = true} : memref<106496xi32, #tpu.memory_space<vmem>>[vector<16xi32>], vector<16xi32>, vector<16xi1>
        tpu.vector_store_idx %arg5[%sub3A_138], %unique3A_147 masked %and3A_148 {add = true} : memref<106496xi32, #tpu.memory_space<vmem>>[vector<16xi32>], vector<16xi32>, vector<16xi1>
        tpu.vector_store_idx %arg5[%sub3A_156], %unique3A_165 masked %and3A_166 {add = true} : memref<106496xi32, #tpu.memory_space<vmem>>[vector<16xi32>], vector<16xi32>, vector<16xi1>
        tpu.vector_store_idx %arg5[%sub3A_174], %unique3A_183 masked %and3A_184 {add = true} : memref<106496xi32, #tpu.memory_space<vmem>>[vector<16xi32>], vector<16xi32>, vector<16xi1>
        tpu.vector_store_idx %arg5[%sub3A_192], %unique3A_201 masked %and3A_202 {add = true} : memref<106496xi32, #tpu.memory_space<vmem>>[vector<16xi32>], vector<16xi32>, vector<16xi1>
        tpu.vector_store_idx %arg5[%sub3A_210], %unique3A_219 masked %and3A_220 {add = true} : memref<106496xi32, #tpu.memory_space<vmem>>[vector<16xi32>], vector<16xi32>, vector<16xi1>
        tpu.vector_store_idx %arg5[%sub3A_228], %unique3A_237 masked %and3A_238 {add = true} : memref<106496xi32, #tpu.memory_space<vmem>>[vector<16xi32>], vector<16xi32>, vector<16xi1>
      }
      %scan3A_99 = arith.constant 64 : i32
    }
    %scan3A_54 = arith.constant 32 : i32
    "tpu.region"() ({
      %run_scoped3A = tpu.sem_alloc : memref<!tpu.dma_semaphore, #tpu.memory_space<semaphore_mem>>
      %dma_start3A = tpu.memref_slice %arg3[%mul3A_42] : memref<17039360xi32, #tpu.memory_space<hbm>> -> memref<106496xi32, #tpu.memory_space<hbm>>
      %dma_start3A_91 = tpu.memref_slice %arg3[%mul3A_42] : memref<17039360xi32, #tpu.memory_space<hbm>> -> memref<106496xi32, #tpu.memory_space<hbm>>
      tpu.enqueue_dma source(%arg5 : memref<106496xi32, #tpu.memory_space<vmem>>) target(%dma_start3A_91 : memref<106496xi32, #tpu.memory_space<hbm>>) target_semaphore(%run_scoped3A : memref<!tpu.dma_semaphore, #tpu.memory_space<semaphore_mem>>)
      %dma_wait3A = tpu.memref_slice %arg3[%mul3A_42] : memref<17039360xi32, #tpu.memory_space<hbm>> -> memref<106496xi32, #tpu.memory_space<hbm>>
      %dma_wait3A_92 = tpu.memref_slice %arg3[%mul3A_42] : memref<17039360xi32, #tpu.memory_space<hbm>> -> memref<106496xi32, #tpu.memory_space<hbm>>
      tpu.wait_dma2 semaphore(%run_scoped3A : memref<!tpu.dma_semaphore, #tpu.memory_space<semaphore_mem>>) src(%arg5 : memref<106496xi32, #tpu.memory_space<vmem>>) dst(%dma_wait3A_92 : memref<106496xi32, #tpu.memory_space<hbm>>)
      tpu.yield
    }) : () -> ()
    %mul3A_55 = arith.constant 52 : i32
    %mul3A_56 = arith.muli %add3A, %mul3A_55 : i32
    %add3A_57 = arith.constant 4992 : i32
    %add3A_58 = arith.addi %add3A_57, %mul3A_56 : i32
    %mul3A_59 = arith.constant 2048 : i32
    %mul3A_60 = arith.muli %add3A_58, %mul3A_59 : i32
    %scan3A_61 = arith.constant 0 : i32
    %scan3A_62 = arith.constant 0 : i32
    %scan3A_63 = arith.constant 832 : i32
    %scan3A_64 = arith.addi %scan3A_62, %scan3A_63 : i32
    %scan3A_65 = arith.constant 1 : i32
    scf.for %scan3A_91 = %scan3A_62 to %scan3A_64 step %scan3A_65  : i32 {
      %mul3A_92 = arith.constant 128 : i32
      %mul3A_93 = arith.muli %scan3A_91, %mul3A_92 : i32
      %add3A_94 = arith.constant 0 : i32
      %add3A_95 = arith.addi %mul3A_93, %add3A_94 : i32
      %swap3A = arith.index_cast %add3A_95 : i32 to index
      %swap3A_96 = tpu.vector_load %arg5[%swap3A] {strides = array<i32>} : memref<106496xi32, #tpu.memory_space<vmem>>, vector<16xi32>,
      tpu.vector_store %arg5[%swap3A], %broadcast_in_dim3A_1 {strides = array<i32>} : memref<106496xi32, #tpu.memory_space<vmem>>, vector<16xi32>,
      %mul3A_97 = arith.constant 128 : i32
      %mul3A_98 = arith.muli %scan3A_91, %mul3A_97 : i32
      %add3A_99 = arith.constant 16 : i32
      %add3A_100 = arith.addi %mul3A_98, %add3A_99 : i32
      %swap3A_101 = arith.index_cast %add3A_100 : i32 to index
      %swap3A_102 = tpu.vector_load %arg5[%swap3A_101] {strides = array<i32>} : memref<106496xi32, #tpu.memory_space<vmem>>, vector<16xi32>,
      tpu.vector_store %arg5[%swap3A_101], %broadcast_in_dim3A_1 {strides = array<i32>} : memref<106496xi32, #tpu.memory_space<vmem>>, vector<16xi32>,
      %mul3A_103 = arith.constant 128 : i32
      %mul3A_104 = arith.muli %scan3A_91, %mul3A_103 : i32
      %add3A_105 = arith.constant 32 : i32
      %add3A_106 = arith.addi %mul3A_104, %add3A_105 : i32
      %swap3A_107 = arith.index_cast %add3A_106 : i32 to index
      %swap3A_108 = tpu.vector_load %arg5[%swap3A_107] {strides = array<i32>} : memref<106496xi32, #tpu.memory_space<vmem>>, vector<16xi32>,
      tpu.vector_store %arg5[%swap3A_107], %broadcast_in_dim3A_1 {strides = array<i32>} : memref<106496xi32, #tpu.memory_space<vmem>>, vector<16xi32>,
      %mul3A_109 = arith.constant 128 : i32
      %mul3A_110 = arith.muli %scan3A_91, %mul3A_109 : i32
      %add3A_111 = arith.constant 48 : i32
      %add3A_112 = arith.addi %mul3A_110, %add3A_111 : i32
      %swap3A_113 = arith.index_cast %add3A_112 : i32 to index
      %swap3A_114 = tpu.vector_load %arg5[%swap3A_113] {strides = array<i32>} : memref<106496xi32, #tpu.memory_space<vmem>>, vector<16xi32>,
      tpu.vector_store %arg5[%swap3A_113], %broadcast_in_dim3A_1 {strides = array<i32>} : memref<106496xi32, #tpu.memory_space<vmem>>, vector<16xi32>,
      %mul3A_115 = arith.constant 128 : i32
      %mul3A_116 = arith.muli %scan3A_91, %mul3A_115 : i32
      %add3A_117 = arith.constant 64 : i32
      %add3A_118 = arith.addi %mul3A_116, %add3A_117 : i32
      %swap3A_119 = arith.index_cast %add3A_118 : i32 to index
      %swap3A_120 = tpu.vector_load %arg5[%swap3A_119] {strides = array<i32>} : memref<106496xi32, #tpu.memory_space<vmem>>, vector<16xi32>,
      tpu.vector_store %arg5[%swap3A_119], %broadcast_in_dim3A_1 {strides = array<i32>} : memref<106496xi32, #tpu.memory_space<vmem>>, vector<16xi32>,
      %mul3A_121 = arith.constant 128 : i32
      %mul3A_122 = arith.muli %scan3A_91, %mul3A_121 : i32
      %add3A_123 = arith.constant 80 : i32
      %add3A_124 = arith.addi %mul3A_122, %add3A_123 : i32
      %swap3A_125 = arith.index_cast %add3A_124 : i32 to index
      %swap3A_126 = tpu.vector_load %arg5[%swap3A_125] {strides = array<i32>} : memref<106496xi32, #tpu.memory_space<vmem>>, vector<16xi32>,
      tpu.vector_store %arg5[%swap3A_125], %broadcast_in_dim3A_1 {strides = array<i32>} : memref<106496xi32, #tpu.memory_space<vmem>>, vector<16xi32>,
      %mul3A_127 = arith.constant 128 : i32
      %mul3A_128 = arith.muli %scan3A_91, %mul3A_127 : i32
      %add3A_129 = arith.constant 96 : i32
      %add3A_130 = arith.addi %mul3A_128, %add3A_129 : i32
      %swap3A_131 = arith.index_cast %add3A_130 : i32 to index
      %swap3A_132 = tpu.vector_load %arg5[%swap3A_131] {strides = array<i32>} : memref<106496xi32, #tpu.memory_space<vmem>>, vector<16xi32>,
      tpu.vector_store %arg5[%swap3A_131], %broadcast_in_dim3A_1 {strides = array<i32>} : memref<106496xi32, #tpu.memory_space<vmem>>, vector<16xi32>,
      %mul3A_133 = arith.constant 128 : i32
      %mul3A_134 = arith.muli %scan3A_91, %mul3A_133 : i32
      %add3A_135 = arith.constant 112 : i32
      %add3A_136 = arith.addi %mul3A_134, %add3A_135 : i32
      %swap3A_137 = arith.index_cast %add3A_136 : i32 to index
      %swap3A_138 = tpu.vector_load %arg5[%swap3A_137] {strides = array<i32>} : memref<106496xi32, #tpu.memory_space<vmem>>, vector<16xi32>,
      tpu.vector_store %arg5[%swap3A_137], %broadcast_in_dim3A_1 {strides = array<i32>} : memref<106496xi32, #tpu.memory_space<vmem>>, vector<16xi32>,
    }
    %scan3A_66 = arith.constant 832 : i32
    %scan3A_67 = arith.constant 0 : i32
    %scan3A_68 = arith.constant 0 : i32
    %scan3A_69 = arith.constant 32 : i32
    %scan3A_70 = arith.addi %scan3A_68, %scan3A_69 : i32
    %scan3A_71 = arith.constant 1 : i32
    scf.for %scan3A_91 = %scan3A_68 to %scan3A_70 step %scan3A_71  : i32 {
      %mul3A_92 = arith.constant 8192 : i32
      %mul3A_93 = arith.muli %scan3A_91, %mul3A_92 : i32
      "tpu.region"() ({
        %run_scoped3A = tpu.sem_alloc : memref<!tpu.dma_semaphore, #tpu.memory_space<semaphore_mem>>
        %dma_start3A = tpu.memref_slice %arg2[%mul3A_93] : memref<262144xi32, #tpu.memory_space<hbm>> -> memref<8192xi32, #tpu.memory_space<hbm>>
        %dma_start3A_100 = tpu.memref_slice %arg2[%mul3A_93] : memref<262144xi32, #tpu.memory_space<hbm>> -> memref<8192xi32, #tpu.memory_space<hbm>>
        tpu.enqueue_dma source(%dma_start3A_100 : memref<8192xi32, #tpu.memory_space<hbm>>) target(%arg4 : memref<8192xi32, #tpu.memory_space<vmem>>) target_semaphore(%run_scoped3A : memref<!tpu.dma_semaphore, #tpu.memory_space<semaphore_mem>>)
        %dma_wait3A = tpu.memref_slice %arg2[%mul3A_93] : memref<262144xi32, #tpu.memory_space<hbm>> -> memref<8192xi32, #tpu.memory_space<hbm>>
        %dma_wait3A_101 = tpu.memref_slice %arg2[%mul3A_93] : memref<262144xi32, #tpu.memory_space<hbm>> -> memref<8192xi32, #tpu.memory_space<hbm>>
        tpu.wait_dma2 semaphore(%run_scoped3A : memref<!tpu.dma_semaphore, #tpu.memory_space<semaphore_mem>>) src(%dma_wait3A_101 : memref<8192xi32, #tpu.memory_space<hbm>>) dst(%arg4 : memref<8192xi32, #tpu.memory_space<vmem>>)
        tpu.yield
      }) : () -> ()
      %scan3A_94 = arith.constant 0 : i32
      %scan3A_95 = arith.constant 0 : i32
      %scan3A_96 = arith.constant 64 : i32
      %scan3A_97 = arith.addi %scan3A_95, %scan3A_96 : i32
      %scan3A_98 = arith.constant 1 : i32
      scf.for %scan3A_100 = %scan3A_95 to %scan3A_97 step %scan3A_98  : i32 {
        %mul3A_101 = arith.constant 128 : i32
        %mul3A_102 = arith.muli %scan3A_100, %mul3A_101 : i32
        %add3A_103 = arith.constant 0 : i32
        %add3A_104 = arith.addi %mul3A_102, %add3A_103 : i32
        %get3A = arith.index_cast %add3A_104 : i32 to index
        %get3A_105 = tpu.vector_load %arg4[%get3A] {strides = array<i32>} : memref<8192xi32, #tpu.memory_space<vmem>>, vector<16xi32>,
        %sub3A = vector.broadcast %mul3A_60 : i32 to vector<16xi32>
        %sub3A_106 = arith.subi %get3A_105, %sub3A : vector<16xi32>
        %ge3A = arith.constant 0 : i32
        %ge3A_107 = vector.broadcast %ge3A : i32 to vector<16xi32>
        %ge3A_108 = arith.cmpi sge, %sub3A_106, %ge3A_107 : vector<16xi32>
        %lt3A = arith.constant 106496 : i32
        %lt3A_109 = vector.broadcast %lt3A : i32 to vector<16xi32>
        %lt3A_110 = arith.cmpi slt, %sub3A_106, %lt3A_109 : vector<16xi32>
        %and3A = arith.andi %ge3A_108, %lt3A_110 : vector<16xi1>
        %unique3A, %unique3A_111 = tpu.scan_count mask(%and3A : vector<16xi1>) value(%sub3A_106 : vector<16xi32>) : vector<16xi1>, vector<16xi32>
        %and3A_112 = arith.andi %unique3A, %and3A : vector<16xi1>
        %mul3A_113 = arith.constant 128 : i32
        %mul3A_114 = arith.muli %scan3A_100, %mul3A_113 : i32
        %add3A_115 = arith.constant 16 : i32
        %add3A_116 = arith.addi %mul3A_114, %add3A_115 : i32
        %get3A_117 = arith.index_cast %add3A_116 : i32 to index
        %get3A_118 = tpu.vector_load %arg4[%get3A_117] {strides = array<i32>} : memref<8192xi32, #tpu.memory_space<vmem>>, vector<16xi32>,
        %sub3A_119 = vector.broadcast %mul3A_60 : i32 to vector<16xi32>
        %sub3A_120 = arith.subi %get3A_118, %sub3A_119 : vector<16xi32>
        %ge3A_121 = arith.constant 0 : i32
        %ge3A_122 = vector.broadcast %ge3A_121 : i32 to vector<16xi32>
        %ge3A_123 = arith.cmpi sge, %sub3A_120, %ge3A_122 : vector<16xi32>
        %lt3A_124 = arith.constant 106496 : i32
        %lt3A_125 = vector.broadcast %lt3A_124 : i32 to vector<16xi32>
        %lt3A_126 = arith.cmpi slt, %sub3A_120, %lt3A_125 : vector<16xi32>
        %and3A_127 = arith.andi %ge3A_123, %lt3A_126 : vector<16xi1>
        %unique3A_128, %unique3A_129 = tpu.scan_count mask(%and3A_127 : vector<16xi1>) value(%sub3A_120 : vector<16xi32>) : vector<16xi1>, vector<16xi32>
        %and3A_130 = arith.andi %unique3A_128, %and3A_127 : vector<16xi1>
        %mul3A_131 = arith.constant 128 : i32
        %mul3A_132 = arith.muli %scan3A_100, %mul3A_131 : i32
        %add3A_133 = arith.constant 32 : i32
        %add3A_134 = arith.addi %mul3A_132, %add3A_133 : i32
        %get3A_135 = arith.index_cast %add3A_134 : i32 to index
        %get3A_136 = tpu.vector_load %arg4[%get3A_135] {strides = array<i32>} : memref<8192xi32, #tpu.memory_space<vmem>>, vector<16xi32>,
        %sub3A_137 = vector.broadcast %mul3A_60 : i32 to vector<16xi32>
        %sub3A_138 = arith.subi %get3A_136, %sub3A_137 : vector<16xi32>
        %ge3A_139 = arith.constant 0 : i32
        %ge3A_140 = vector.broadcast %ge3A_139 : i32 to vector<16xi32>
        %ge3A_141 = arith.cmpi sge, %sub3A_138, %ge3A_140 : vector<16xi32>
        %lt3A_142 = arith.constant 106496 : i32
        %lt3A_143 = vector.broadcast %lt3A_142 : i32 to vector<16xi32>
        %lt3A_144 = arith.cmpi slt, %sub3A_138, %lt3A_143 : vector<16xi32>
        %and3A_145 = arith.andi %ge3A_141, %lt3A_144 : vector<16xi1>
        %unique3A_146, %unique3A_147 = tpu.scan_count mask(%and3A_145 : vector<16xi1>) value(%sub3A_138 : vector<16xi32>) : vector<16xi1>, vector<16xi32>
        %and3A_148 = arith.andi %unique3A_146, %and3A_145 : vector<16xi1>
        %mul3A_149 = arith.constant 128 : i32
        %mul3A_150 = arith.muli %scan3A_100, %mul3A_149 : i32
        %add3A_151 = arith.constant 48 : i32
        %add3A_152 = arith.addi %mul3A_150, %add3A_151 : i32
        %get3A_153 = arith.index_cast %add3A_152 : i32 to index
        %get3A_154 = tpu.vector_load %arg4[%get3A_153] {strides = array<i32>} : memref<8192xi32, #tpu.memory_space<vmem>>, vector<16xi32>,
        %sub3A_155 = vector.broadcast %mul3A_60 : i32 to vector<16xi32>
        %sub3A_156 = arith.subi %get3A_154, %sub3A_155 : vector<16xi32>
        %ge3A_157 = arith.constant 0 : i32
        %ge3A_158 = vector.broadcast %ge3A_157 : i32 to vector<16xi32>
        %ge3A_159 = arith.cmpi sge, %sub3A_156, %ge3A_158 : vector<16xi32>
        %lt3A_160 = arith.constant 106496 : i32
        %lt3A_161 = vector.broadcast %lt3A_160 : i32 to vector<16xi32>
        %lt3A_162 = arith.cmpi slt, %sub3A_156, %lt3A_161 : vector<16xi32>
        %and3A_163 = arith.andi %ge3A_159, %lt3A_162 : vector<16xi1>
        %unique3A_164, %unique3A_165 = tpu.scan_count mask(%and3A_163 : vector<16xi1>) value(%sub3A_156 : vector<16xi32>) : vector<16xi1>, vector<16xi32>
        %and3A_166 = arith.andi %unique3A_164, %and3A_163 : vector<16xi1>
        %mul3A_167 = arith.constant 128 : i32
        %mul3A_168 = arith.muli %scan3A_100, %mul3A_167 : i32
        %add3A_169 = arith.constant 64 : i32
        %add3A_170 = arith.addi %mul3A_168, %add3A_169 : i32
        %get3A_171 = arith.index_cast %add3A_170 : i32 to index
        %get3A_172 = tpu.vector_load %arg4[%get3A_171] {strides = array<i32>} : memref<8192xi32, #tpu.memory_space<vmem>>, vector<16xi32>,
        %sub3A_173 = vector.broadcast %mul3A_60 : i32 to vector<16xi32>
        %sub3A_174 = arith.subi %get3A_172, %sub3A_173 : vector<16xi32>
        %ge3A_175 = arith.constant 0 : i32
        %ge3A_176 = vector.broadcast %ge3A_175 : i32 to vector<16xi32>
        %ge3A_177 = arith.cmpi sge, %sub3A_174, %ge3A_176 : vector<16xi32>
        %lt3A_178 = arith.constant 106496 : i32
        %lt3A_179 = vector.broadcast %lt3A_178 : i32 to vector<16xi32>
        %lt3A_180 = arith.cmpi slt, %sub3A_174, %lt3A_179 : vector<16xi32>
        %and3A_181 = arith.andi %ge3A_177, %lt3A_180 : vector<16xi1>
        %unique3A_182, %unique3A_183 = tpu.scan_count mask(%and3A_181 : vector<16xi1>) value(%sub3A_174 : vector<16xi32>) : vector<16xi1>, vector<16xi32>
        %and3A_184 = arith.andi %unique3A_182, %and3A_181 : vector<16xi1>
        %mul3A_185 = arith.constant 128 : i32
        %mul3A_186 = arith.muli %scan3A_100, %mul3A_185 : i32
        %add3A_187 = arith.constant 80 : i32
        %add3A_188 = arith.addi %mul3A_186, %add3A_187 : i32
        %get3A_189 = arith.index_cast %add3A_188 : i32 to index
        %get3A_190 = tpu.vector_load %arg4[%get3A_189] {strides = array<i32>} : memref<8192xi32, #tpu.memory_space<vmem>>, vector<16xi32>,
        %sub3A_191 = vector.broadcast %mul3A_60 : i32 to vector<16xi32>
        %sub3A_192 = arith.subi %get3A_190, %sub3A_191 : vector<16xi32>
        %ge3A_193 = arith.constant 0 : i32
        %ge3A_194 = vector.broadcast %ge3A_193 : i32 to vector<16xi32>
        %ge3A_195 = arith.cmpi sge, %sub3A_192, %ge3A_194 : vector<16xi32>
        %lt3A_196 = arith.constant 106496 : i32
        %lt3A_197 = vector.broadcast %lt3A_196 : i32 to vector<16xi32>
        %lt3A_198 = arith.cmpi slt, %sub3A_192, %lt3A_197 : vector<16xi32>
        %and3A_199 = arith.andi %ge3A_195, %lt3A_198 : vector<16xi1>
        %unique3A_200, %unique3A_201 = tpu.scan_count mask(%and3A_199 : vector<16xi1>) value(%sub3A_192 : vector<16xi32>) : vector<16xi1>, vector<16xi32>
        %and3A_202 = arith.andi %unique3A_200, %and3A_199 : vector<16xi1>
        %mul3A_203 = arith.constant 128 : i32
        %mul3A_204 = arith.muli %scan3A_100, %mul3A_203 : i32
        %add3A_205 = arith.constant 96 : i32
        %add3A_206 = arith.addi %mul3A_204, %add3A_205 : i32
        %get3A_207 = arith.index_cast %add3A_206 : i32 to index
        %get3A_208 = tpu.vector_load %arg4[%get3A_207] {strides = array<i32>} : memref<8192xi32, #tpu.memory_space<vmem>>, vector<16xi32>,
        %sub3A_209 = vector.broadcast %mul3A_60 : i32 to vector<16xi32>
        %sub3A_210 = arith.subi %get3A_208, %sub3A_209 : vector<16xi32>
        %ge3A_211 = arith.constant 0 : i32
        %ge3A_212 = vector.broadcast %ge3A_211 : i32 to vector<16xi32>
        %ge3A_213 = arith.cmpi sge, %sub3A_210, %ge3A_212 : vector<16xi32>
        %lt3A_214 = arith.constant 106496 : i32
        %lt3A_215 = vector.broadcast %lt3A_214 : i32 to vector<16xi32>
        %lt3A_216 = arith.cmpi slt, %sub3A_210, %lt3A_215 : vector<16xi32>
        %and3A_217 = arith.andi %ge3A_213, %lt3A_216 : vector<16xi1>
        %unique3A_218, %unique3A_219 = tpu.scan_count mask(%and3A_217 : vector<16xi1>) value(%sub3A_210 : vector<16xi32>) : vector<16xi1>, vector<16xi32>
        %and3A_220 = arith.andi %unique3A_218, %and3A_217 : vector<16xi1>
        %mul3A_221 = arith.constant 128 : i32
        %mul3A_222 = arith.muli %scan3A_100, %mul3A_221 : i32
        %add3A_223 = arith.constant 112 : i32
        %add3A_224 = arith.addi %mul3A_222, %add3A_223 : i32
        %get3A_225 = arith.index_cast %add3A_224 : i32 to index
        %get3A_226 = tpu.vector_load %arg4[%get3A_225] {strides = array<i32>} : memref<8192xi32, #tpu.memory_space<vmem>>, vector<16xi32>,
        %sub3A_227 = vector.broadcast %mul3A_60 : i32 to vector<16xi32>
        %sub3A_228 = arith.subi %get3A_226, %sub3A_227 : vector<16xi32>
        %ge3A_229 = arith.constant 0 : i32
        %ge3A_230 = vector.broadcast %ge3A_229 : i32 to vector<16xi32>
        %ge3A_231 = arith.cmpi sge, %sub3A_228, %ge3A_230 : vector<16xi32>
        %lt3A_232 = arith.constant 106496 : i32
        %lt3A_233 = vector.broadcast %lt3A_232 : i32 to vector<16xi32>
        %lt3A_234 = arith.cmpi slt, %sub3A_228, %lt3A_233 : vector<16xi32>
        %and3A_235 = arith.andi %ge3A_231, %lt3A_234 : vector<16xi1>
        %unique3A_236, %unique3A_237 = tpu.scan_count mask(%and3A_235 : vector<16xi1>) value(%sub3A_228 : vector<16xi32>) : vector<16xi1>, vector<16xi32>
        %and3A_238 = arith.andi %unique3A_236, %and3A_235 : vector<16xi1>
        tpu.vector_store_idx %arg5[%sub3A_106], %unique3A_111 masked %and3A_112 {add = true} : memref<106496xi32, #tpu.memory_space<vmem>>[vector<16xi32>], vector<16xi32>, vector<16xi1>
        tpu.vector_store_idx %arg5[%sub3A_120], %unique3A_129 masked %and3A_130 {add = true} : memref<106496xi32, #tpu.memory_space<vmem>>[vector<16xi32>], vector<16xi32>, vector<16xi1>
        tpu.vector_store_idx %arg5[%sub3A_138], %unique3A_147 masked %and3A_148 {add = true} : memref<106496xi32, #tpu.memory_space<vmem>>[vector<16xi32>], vector<16xi32>, vector<16xi1>
        tpu.vector_store_idx %arg5[%sub3A_156], %unique3A_165 masked %and3A_166 {add = true} : memref<106496xi32, #tpu.memory_space<vmem>>[vector<16xi32>], vector<16xi32>, vector<16xi1>
        tpu.vector_store_idx %arg5[%sub3A_174], %unique3A_183 masked %and3A_184 {add = true} : memref<106496xi32, #tpu.memory_space<vmem>>[vector<16xi32>], vector<16xi32>, vector<16xi1>
        tpu.vector_store_idx %arg5[%sub3A_192], %unique3A_201 masked %and3A_202 {add = true} : memref<106496xi32, #tpu.memory_space<vmem>>[vector<16xi32>], vector<16xi32>, vector<16xi1>
        tpu.vector_store_idx %arg5[%sub3A_210], %unique3A_219 masked %and3A_220 {add = true} : memref<106496xi32, #tpu.memory_space<vmem>>[vector<16xi32>], vector<16xi32>, vector<16xi1>
        tpu.vector_store_idx %arg5[%sub3A_228], %unique3A_237 masked %and3A_238 {add = true} : memref<106496xi32, #tpu.memory_space<vmem>>[vector<16xi32>], vector<16xi32>, vector<16xi1>
      }
      %scan3A_99 = arith.constant 64 : i32
    }
    %scan3A_72 = arith.constant 32 : i32
    "tpu.region"() ({
      %run_scoped3A = tpu.sem_alloc : memref<!tpu.dma_semaphore, #tpu.memory_space<semaphore_mem>>
      %dma_start3A = tpu.memref_slice %arg3[%mul3A_60] : memref<17039360xi32, #tpu.memory_space<hbm>> -> memref<106496xi32, #tpu.memory_space<hbm>>
      %dma_start3A_91 = tpu.memref_slice %arg3[%mul3A_60] : memref<17039360xi32, #tpu.memory_space<hbm>> -> memref<106496xi32, #tpu.memory_space<hbm>>
      tpu.enqueue_dma source(%arg5 : memref<106496xi32, #tpu.memory_space<vmem>>) target(%dma_start3A_91 : memref<106496xi32, #tpu.memory_space<hbm>>) target_semaphore(%run_scoped3A : memref<!tpu.dma_semaphore, #tpu.memory_space<semaphore_mem>>)
      %dma_wait3A = tpu.memref_slice %arg3[%mul3A_60] : memref<17039360xi32, #tpu.memory_space<hbm>> -> memref<106496xi32, #tpu.memory_space<hbm>>
      %dma_wait3A_92 = tpu.memref_slice %arg3[%mul3A_60] : memref<17039360xi32, #tpu.memory_space<hbm>> -> memref<106496xi32, #tpu.memory_space<hbm>>
      tpu.wait_dma2 semaphore(%run_scoped3A : memref<!tpu.dma_semaphore, #tpu.memory_space<semaphore_mem>>) src(%arg5 : memref<106496xi32, #tpu.memory_space<vmem>>) dst(%dma_wait3A_92 : memref<106496xi32, #tpu.memory_space<hbm>>)
      tpu.yield
    }) : () -> ()
    %mul3A_73 = arith.constant 52 : i32
    %mul3A_74 = arith.muli %add3A, %mul3A_73 : i32
    %add3A_75 = arith.constant 6656 : i32
    %add3A_76 = arith.addi %add3A_75, %mul3A_74 : i32
    %mul3A_77 = arith.constant 2048 : i32
    %mul3A_78 = arith.muli %add3A_76, %mul3A_77 : i32
    %scan3A_79 = arith.constant 0 : i32
    %scan3A_80 = arith.constant 0 : i32
    %scan3A_81 = arith.constant 832 : i32
    %scan3A_82 = arith.addi %scan3A_80, %scan3A_81 : i32
    %scan3A_83 = arith.constant 1 : i32
    scf.for %scan3A_91 = %scan3A_80 to %scan3A_82 step %scan3A_83  : i32 {
      %mul3A_92 = arith.constant 128 : i32
      %mul3A_93 = arith.muli %scan3A_91, %mul3A_92 : i32
      %add3A_94 = arith.constant 0 : i32
      %add3A_95 = arith.addi %mul3A_93, %add3A_94 : i32
      %swap3A = arith.index_cast %add3A_95 : i32 to index
      %swap3A_96 = tpu.vector_load %arg5[%swap3A] {strides = array<i32>} : memref<106496xi32, #tpu.memory_space<vmem>>, vector<16xi32>,
      tpu.vector_store %arg5[%swap3A], %broadcast_in_dim3A_1 {strides = array<i32>} : memref<106496xi32, #tpu.memory_space<vmem>>, vector<16xi32>,
      %mul3A_97 = arith.constant 128 : i32
      %mul3A_98 = arith.muli %scan3A_91, %mul3A_97 : i32
      %add3A_99 = arith.constant 16 : i32
      %add3A_100 = arith.addi %mul3A_98, %add3A_99 : i32
      %swap3A_101 = arith.index_cast %add3A_100 : i32 to index
      %swap3A_102 = tpu.vector_load %arg5[%swap3A_101] {strides = array<i32>} : memref<106496xi32, #tpu.memory_space<vmem>>, vector<16xi32>,
      tpu.vector_store %arg5[%swap3A_101], %broadcast_in_dim3A_1 {strides = array<i32>} : memref<106496xi32, #tpu.memory_space<vmem>>, vector<16xi32>,
      %mul3A_103 = arith.constant 128 : i32
      %mul3A_104 = arith.muli %scan3A_91, %mul3A_103 : i32
      %add3A_105 = arith.constant 32 : i32
      %add3A_106 = arith.addi %mul3A_104, %add3A_105 : i32
      %swap3A_107 = arith.index_cast %add3A_106 : i32 to index
      %swap3A_108 = tpu.vector_load %arg5[%swap3A_107] {strides = array<i32>} : memref<106496xi32, #tpu.memory_space<vmem>>, vector<16xi32>,
      tpu.vector_store %arg5[%swap3A_107], %broadcast_in_dim3A_1 {strides = array<i32>} : memref<106496xi32, #tpu.memory_space<vmem>>, vector<16xi32>,
      %mul3A_109 = arith.constant 128 : i32
      %mul3A_110 = arith.muli %scan3A_91, %mul3A_109 : i32
      %add3A_111 = arith.constant 48 : i32
      %add3A_112 = arith.addi %mul3A_110, %add3A_111 : i32
      %swap3A_113 = arith.index_cast %add3A_112 : i32 to index
      %swap3A_114 = tpu.vector_load %arg5[%swap3A_113] {strides = array<i32>} : memref<106496xi32, #tpu.memory_space<vmem>>, vector<16xi32>,
      tpu.vector_store %arg5[%swap3A_113], %broadcast_in_dim3A_1 {strides = array<i32>} : memref<106496xi32, #tpu.memory_space<vmem>>, vector<16xi32>,
      %mul3A_115 = arith.constant 128 : i32
      %mul3A_116 = arith.muli %scan3A_91, %mul3A_115 : i32
      %add3A_117 = arith.constant 64 : i32
      %add3A_118 = arith.addi %mul3A_116, %add3A_117 : i32
      %swap3A_119 = arith.index_cast %add3A_118 : i32 to index
      %swap3A_120 = tpu.vector_load %arg5[%swap3A_119] {strides = array<i32>} : memref<106496xi32, #tpu.memory_space<vmem>>, vector<16xi32>,
      tpu.vector_store %arg5[%swap3A_119], %broadcast_in_dim3A_1 {strides = array<i32>} : memref<106496xi32, #tpu.memory_space<vmem>>, vector<16xi32>,
      %mul3A_121 = arith.constant 128 : i32
      %mul3A_122 = arith.muli %scan3A_91, %mul3A_121 : i32
      %add3A_123 = arith.constant 80 : i32
      %add3A_124 = arith.addi %mul3A_122, %add3A_123 : i32
      %swap3A_125 = arith.index_cast %add3A_124 : i32 to index
      %swap3A_126 = tpu.vector_load %arg5[%swap3A_125] {strides = array<i32>} : memref<106496xi32, #tpu.memory_space<vmem>>, vector<16xi32>,
      tpu.vector_store %arg5[%swap3A_125], %broadcast_in_dim3A_1 {strides = array<i32>} : memref<106496xi32, #tpu.memory_space<vmem>>, vector<16xi32>,
      %mul3A_127 = arith.constant 128 : i32
      %mul3A_128 = arith.muli %scan3A_91, %mul3A_127 : i32
      %add3A_129 = arith.constant 96 : i32
      %add3A_130 = arith.addi %mul3A_128, %add3A_129 : i32
      %swap3A_131 = arith.index_cast %add3A_130 : i32 to index
      %swap3A_132 = tpu.vector_load %arg5[%swap3A_131] {strides = array<i32>} : memref<106496xi32, #tpu.memory_space<vmem>>, vector<16xi32>,
      tpu.vector_store %arg5[%swap3A_131], %broadcast_in_dim3A_1 {strides = array<i32>} : memref<106496xi32, #tpu.memory_space<vmem>>, vector<16xi32>,
      %mul3A_133 = arith.constant 128 : i32
      %mul3A_134 = arith.muli %scan3A_91, %mul3A_133 : i32
      %add3A_135 = arith.constant 112 : i32
      %add3A_136 = arith.addi %mul3A_134, %add3A_135 : i32
      %swap3A_137 = arith.index_cast %add3A_136 : i32 to index
      %swap3A_138 = tpu.vector_load %arg5[%swap3A_137] {strides = array<i32>} : memref<106496xi32, #tpu.memory_space<vmem>>, vector<16xi32>,
      tpu.vector_store %arg5[%swap3A_137], %broadcast_in_dim3A_1 {strides = array<i32>} : memref<106496xi32, #tpu.memory_space<vmem>>, vector<16xi32>,
    }
    %scan3A_84 = arith.constant 832 : i32
    %scan3A_85 = arith.constant 0 : i32
    %scan3A_86 = arith.constant 0 : i32
    %scan3A_87 = arith.constant 32 : i32
    %scan3A_88 = arith.addi %scan3A_86, %scan3A_87 : i32
    %scan3A_89 = arith.constant 1 : i32
    scf.for %scan3A_91 = %scan3A_86 to %scan3A_88 step %scan3A_89  : i32 {
      %mul3A_92 = arith.constant 8192 : i32
      %mul3A_93 = arith.muli %scan3A_91, %mul3A_92 : i32
      "tpu.region"() ({
        %run_scoped3A = tpu.sem_alloc : memref<!tpu.dma_semaphore, #tpu.memory_space<semaphore_mem>>
        %dma_start3A = tpu.memref_slice %arg2[%mul3A_93] : memref<262144xi32, #tpu.memory_space<hbm>> -> memref<8192xi32, #tpu.memory_space<hbm>>
        %dma_start3A_100 = tpu.memref_slice %arg2[%mul3A_93] : memref<262144xi32, #tpu.memory_space<hbm>> -> memref<8192xi32, #tpu.memory_space<hbm>>
        tpu.enqueue_dma source(%dma_start3A_100 : memref<8192xi32, #tpu.memory_space<hbm>>) target(%arg4 : memref<8192xi32, #tpu.memory_space<vmem>>) target_semaphore(%run_scoped3A : memref<!tpu.dma_semaphore, #tpu.memory_space<semaphore_mem>>)
        %dma_wait3A = tpu.memref_slice %arg2[%mul3A_93] : memref<262144xi32, #tpu.memory_space<hbm>> -> memref<8192xi32, #tpu.memory_space<hbm>>
        %dma_wait3A_101 = tpu.memref_slice %arg2[%mul3A_93] : memref<262144xi32, #tpu.memory_space<hbm>> -> memref<8192xi32, #tpu.memory_space<hbm>>
        tpu.wait_dma2 semaphore(%run_scoped3A : memref<!tpu.dma_semaphore, #tpu.memory_space<semaphore_mem>>) src(%dma_wait3A_101 : memref<8192xi32, #tpu.memory_space<hbm>>) dst(%arg4 : memref<8192xi32, #tpu.memory_space<vmem>>)
        tpu.yield
      }) : () -> ()
      %scan3A_94 = arith.constant 0 : i32
      %scan3A_95 = arith.constant 0 : i32
      %scan3A_96 = arith.constant 64 : i32
      %scan3A_97 = arith.addi %scan3A_95, %scan3A_96 : i32
      %scan3A_98 = arith.constant 1 : i32
      scf.for %scan3A_100 = %scan3A_95 to %scan3A_97 step %scan3A_98  : i32 {
        %mul3A_101 = arith.constant 128 : i32
        %mul3A_102 = arith.muli %scan3A_100, %mul3A_101 : i32
        %add3A_103 = arith.constant 0 : i32
        %add3A_104 = arith.addi %mul3A_102, %add3A_103 : i32
        %get3A = arith.index_cast %add3A_104 : i32 to index
        %get3A_105 = tpu.vector_load %arg4[%get3A] {strides = array<i32>} : memref<8192xi32, #tpu.memory_space<vmem>>, vector<16xi32>,
        %sub3A = vector.broadcast %mul3A_78 : i32 to vector<16xi32>
        %sub3A_106 = arith.subi %get3A_105, %sub3A : vector<16xi32>
        %ge3A = arith.constant 0 : i32
        %ge3A_107 = vector.broadcast %ge3A : i32 to vector<16xi32>
        %ge3A_108 = arith.cmpi sge, %sub3A_106, %ge3A_107 : vector<16xi32>
        %lt3A = arith.constant 106496 : i32
        %lt3A_109 = vector.broadcast %lt3A : i32 to vector<16xi32>
        %lt3A_110 = arith.cmpi slt, %sub3A_106, %lt3A_109 : vector<16xi32>
        %and3A = arith.andi %ge3A_108, %lt3A_110 : vector<16xi1>
        %unique3A, %unique3A_111 = tpu.scan_count mask(%and3A : vector<16xi1>) value(%sub3A_106 : vector<16xi32>) : vector<16xi1>, vector<16xi32>
        %and3A_112 = arith.andi %unique3A, %and3A : vector<16xi1>
        %mul3A_113 = arith.constant 128 : i32
        %mul3A_114 = arith.muli %scan3A_100, %mul3A_113 : i32
        %add3A_115 = arith.constant 16 : i32
        %add3A_116 = arith.addi %mul3A_114, %add3A_115 : i32
        %get3A_117 = arith.index_cast %add3A_116 : i32 to index
        %get3A_118 = tpu.vector_load %arg4[%get3A_117] {strides = array<i32>} : memref<8192xi32, #tpu.memory_space<vmem>>, vector<16xi32>,
        %sub3A_119 = vector.broadcast %mul3A_78 : i32 to vector<16xi32>
        %sub3A_120 = arith.subi %get3A_118, %sub3A_119 : vector<16xi32>
        %ge3A_121 = arith.constant 0 : i32
        %ge3A_122 = vector.broadcast %ge3A_121 : i32 to vector<16xi32>
        %ge3A_123 = arith.cmpi sge, %sub3A_120, %ge3A_122 : vector<16xi32>
        %lt3A_124 = arith.constant 106496 : i32
        %lt3A_125 = vector.broadcast %lt3A_124 : i32 to vector<16xi32>
        %lt3A_126 = arith.cmpi slt, %sub3A_120, %lt3A_125 : vector<16xi32>
        %and3A_127 = arith.andi %ge3A_123, %lt3A_126 : vector<16xi1>
        %unique3A_128, %unique3A_129 = tpu.scan_count mask(%and3A_127 : vector<16xi1>) value(%sub3A_120 : vector<16xi32>) : vector<16xi1>, vector<16xi32>
        %and3A_130 = arith.andi %unique3A_128, %and3A_127 : vector<16xi1>
        %mul3A_131 = arith.constant 128 : i32
        %mul3A_132 = arith.muli %scan3A_100, %mul3A_131 : i32
        %add3A_133 = arith.constant 32 : i32
        %add3A_134 = arith.addi %mul3A_132, %add3A_133 : i32
        %get3A_135 = arith.index_cast %add3A_134 : i32 to index
        %get3A_136 = tpu.vector_load %arg4[%get3A_135] {strides = array<i32>} : memref<8192xi32, #tpu.memory_space<vmem>>, vector<16xi32>,
        %sub3A_137 = vector.broadcast %mul3A_78 : i32 to vector<16xi32>
        %sub3A_138 = arith.subi %get3A_136, %sub3A_137 : vector<16xi32>
        %ge3A_139 = arith.constant 0 : i32
        %ge3A_140 = vector.broadcast %ge3A_139 : i32 to vector<16xi32>
        %ge3A_141 = arith.cmpi sge, %sub3A_138, %ge3A_140 : vector<16xi32>
        %lt3A_142 = arith.constant 106496 : i32
        %lt3A_143 = vector.broadcast %lt3A_142 : i32 to vector<16xi32>
        %lt3A_144 = arith.cmpi slt, %sub3A_138, %lt3A_143 : vector<16xi32>
        %and3A_145 = arith.andi %ge3A_141, %lt3A_144 : vector<16xi1>
        %unique3A_146, %unique3A_147 = tpu.scan_count mask(%and3A_145 : vector<16xi1>) value(%sub3A_138 : vector<16xi32>) : vector<16xi1>, vector<16xi32>
        %and3A_148 = arith.andi %unique3A_146, %and3A_145 : vector<16xi1>
        %mul3A_149 = arith.constant 128 : i32
        %mul3A_150 = arith.muli %scan3A_100, %mul3A_149 : i32
        %add3A_151 = arith.constant 48 : i32
        %add3A_152 = arith.addi %mul3A_150, %add3A_151 : i32
        %get3A_153 = arith.index_cast %add3A_152 : i32 to index
        %get3A_154 = tpu.vector_load %arg4[%get3A_153] {strides = array<i32>} : memref<8192xi32, #tpu.memory_space<vmem>>, vector<16xi32>,
        %sub3A_155 = vector.broadcast %mul3A_78 : i32 to vector<16xi32>
        %sub3A_156 = arith.subi %get3A_154, %sub3A_155 : vector<16xi32>
        %ge3A_157 = arith.constant 0 : i32
        %ge3A_158 = vector.broadcast %ge3A_157 : i32 to vector<16xi32>
        %ge3A_159 = arith.cmpi sge, %sub3A_156, %ge3A_158 : vector<16xi32>
        %lt3A_160 = arith.constant 106496 : i32
        %lt3A_161 = vector.broadcast %lt3A_160 : i32 to vector<16xi32>
        %lt3A_162 = arith.cmpi slt, %sub3A_156, %lt3A_161 : vector<16xi32>
        %and3A_163 = arith.andi %ge3A_159, %lt3A_162 : vector<16xi1>
        %unique3A_164, %unique3A_165 = tpu.scan_count mask(%and3A_163 : vector<16xi1>) value(%sub3A_156 : vector<16xi32>) : vector<16xi1>, vector<16xi32>
        %and3A_166 = arith.andi %unique3A_164, %and3A_163 : vector<16xi1>
        %mul3A_167 = arith.constant 128 : i32
        %mul3A_168 = arith.muli %scan3A_100, %mul3A_167 : i32
        %add3A_169 = arith.constant 64 : i32
        %add3A_170 = arith.addi %mul3A_168, %add3A_169 : i32
        %get3A_171 = arith.index_cast %add3A_170 : i32 to index
        %get3A_172 = tpu.vector_load %arg4[%get3A_171] {strides = array<i32>} : memref<8192xi32, #tpu.memory_space<vmem>>, vector<16xi32>,
        %sub3A_173 = vector.broadcast %mul3A_78 : i32 to vector<16xi32>
        %sub3A_174 = arith.subi %get3A_172, %sub3A_173 : vector<16xi32>
        %ge3A_175 = arith.constant 0 : i32
        %ge3A_176 = vector.broadcast %ge3A_175 : i32 to vector<16xi32>
        %ge3A_177 = arith.cmpi sge, %sub3A_174, %ge3A_176 : vector<16xi32>
        %lt3A_178 = arith.constant 106496 : i32
        %lt3A_179 = vector.broadcast %lt3A_178 : i32 to vector<16xi32>
        %lt3A_180 = arith.cmpi slt, %sub3A_174, %lt3A_179 : vector<16xi32>
        %and3A_181 = arith.andi %ge3A_177, %lt3A_180 : vector<16xi1>
        %unique3A_182, %unique3A_183 = tpu.scan_count mask(%and3A_181 : vector<16xi1>) value(%sub3A_174 : vector<16xi32>) : vector<16xi1>, vector<16xi32>
        %and3A_184 = arith.andi %unique3A_182, %and3A_181 : vector<16xi1>
        %mul3A_185 = arith.constant 128 : i32
        %mul3A_186 = arith.muli %scan3A_100, %mul3A_185 : i32
        %add3A_187 = arith.constant 80 : i32
        %add3A_188 = arith.addi %mul3A_186, %add3A_187 : i32
        %get3A_189 = arith.index_cast %add3A_188 : i32 to index
        %get3A_190 = tpu.vector_load %arg4[%get3A_189] {strides = array<i32>} : memref<8192xi32, #tpu.memory_space<vmem>>, vector<16xi32>,
        %sub3A_191 = vector.broadcast %mul3A_78 : i32 to vector<16xi32>
        %sub3A_192 = arith.subi %get3A_190, %sub3A_191 : vector<16xi32>
        %ge3A_193 = arith.constant 0 : i32
        %ge3A_194 = vector.broadcast %ge3A_193 : i32 to vector<16xi32>
        %ge3A_195 = arith.cmpi sge, %sub3A_192, %ge3A_194 : vector<16xi32>
        %lt3A_196 = arith.constant 106496 : i32
        %lt3A_197 = vector.broadcast %lt3A_196 : i32 to vector<16xi32>
        %lt3A_198 = arith.cmpi slt, %sub3A_192, %lt3A_197 : vector<16xi32>
        %and3A_199 = arith.andi %ge3A_195, %lt3A_198 : vector<16xi1>
        %unique3A_200, %unique3A_201 = tpu.scan_count mask(%and3A_199 : vector<16xi1>) value(%sub3A_192 : vector<16xi32>) : vector<16xi1>, vector<16xi32>
        %and3A_202 = arith.andi %unique3A_200, %and3A_199 : vector<16xi1>
        %mul3A_203 = arith.constant 128 : i32
        %mul3A_204 = arith.muli %scan3A_100, %mul3A_203 : i32
        %add3A_205 = arith.constant 96 : i32
        %add3A_206 = arith.addi %mul3A_204, %add3A_205 : i32
        %get3A_207 = arith.index_cast %add3A_206 : i32 to index
        %get3A_208 = tpu.vector_load %arg4[%get3A_207] {strides = array<i32>} : memref<8192xi32, #tpu.memory_space<vmem>>, vector<16xi32>,
        %sub3A_209 = vector.broadcast %mul3A_78 : i32 to vector<16xi32>
        %sub3A_210 = arith.subi %get3A_208, %sub3A_209 : vector<16xi32>
        %ge3A_211 = arith.constant 0 : i32
        %ge3A_212 = vector.broadcast %ge3A_211 : i32 to vector<16xi32>
        %ge3A_213 = arith.cmpi sge, %sub3A_210, %ge3A_212 : vector<16xi32>
        %lt3A_214 = arith.constant 106496 : i32
        %lt3A_215 = vector.broadcast %lt3A_214 : i32 to vector<16xi32>
        %lt3A_216 = arith.cmpi slt, %sub3A_210, %lt3A_215 : vector<16xi32>
        %and3A_217 = arith.andi %ge3A_213, %lt3A_216 : vector<16xi1>
        %unique3A_218, %unique3A_219 = tpu.scan_count mask(%and3A_217 : vector<16xi1>) value(%sub3A_210 : vector<16xi32>) : vector<16xi1>, vector<16xi32>
        %and3A_220 = arith.andi %unique3A_218, %and3A_217 : vector<16xi1>
        %mul3A_221 = arith.constant 128 : i32
        %mul3A_222 = arith.muli %scan3A_100, %mul3A_221 : i32
        %add3A_223 = arith.constant 112 : i32
        %add3A_224 = arith.addi %mul3A_222, %add3A_223 : i32
        %get3A_225 = arith.index_cast %add3A_224 : i32 to index
        %get3A_226 = tpu.vector_load %arg4[%get3A_225] {strides = array<i32>} : memref<8192xi32, #tpu.memory_space<vmem>>, vector<16xi32>,
        %sub3A_227 = vector.broadcast %mul3A_78 : i32 to vector<16xi32>
        %sub3A_228 = arith.subi %get3A_226, %sub3A_227 : vector<16xi32>
        %ge3A_229 = arith.constant 0 : i32
        %ge3A_230 = vector.broadcast %ge3A_229 : i32 to vector<16xi32>
        %ge3A_231 = arith.cmpi sge, %sub3A_228, %ge3A_230 : vector<16xi32>
        %lt3A_232 = arith.constant 106496 : i32
        %lt3A_233 = vector.broadcast %lt3A_232 : i32 to vector<16xi32>
        %lt3A_234 = arith.cmpi slt, %sub3A_228, %lt3A_233 : vector<16xi32>
        %and3A_235 = arith.andi %ge3A_231, %lt3A_234 : vector<16xi1>
        %unique3A_236, %unique3A_237 = tpu.scan_count mask(%and3A_235 : vector<16xi1>) value(%sub3A_228 : vector<16xi32>) : vector<16xi1>, vector<16xi32>
        %and3A_238 = arith.andi %unique3A_236, %and3A_235 : vector<16xi1>
        tpu.vector_store_idx %arg5[%sub3A_106], %unique3A_111 masked %and3A_112 {add = true} : memref<106496xi32, #tpu.memory_space<vmem>>[vector<16xi32>], vector<16xi32>, vector<16xi1>
        tpu.vector_store_idx %arg5[%sub3A_120], %unique3A_129 masked %and3A_130 {add = true} : memref<106496xi32, #tpu.memory_space<vmem>>[vector<16xi32>], vector<16xi32>, vector<16xi1>
        tpu.vector_store_idx %arg5[%sub3A_138], %unique3A_147 masked %and3A_148 {add = true} : memref<106496xi32, #tpu.memory_space<vmem>>[vector<16xi32>], vector<16xi32>, vector<16xi1>
        tpu.vector_store_idx %arg5[%sub3A_156], %unique3A_165 masked %and3A_166 {add = true} : memref<106496xi32, #tpu.memory_space<vmem>>[vector<16xi32>], vector<16xi32>, vector<16xi1>
        tpu.vector_store_idx %arg5[%sub3A_174], %unique3A_183 masked %and3A_184 {add = true} : memref<106496xi32, #tpu.memory_space<vmem>>[vector<16xi32>], vector<16xi32>, vector<16xi1>
        tpu.vector_store_idx %arg5[%sub3A_192], %unique3A_201 masked %and3A_202 {add = true} : memref<106496xi32, #tpu.memory_space<vmem>>[vector<16xi32>], vector<16xi32>, vector<16xi1>
        tpu.vector_store_idx %arg5[%sub3A_210], %unique3A_219 masked %and3A_220 {add = true} : memref<106496xi32, #tpu.memory_space<vmem>>[vector<16xi32>], vector<16xi32>, vector<16xi1>
        tpu.vector_store_idx %arg5[%sub3A_228], %unique3A_237 masked %and3A_238 {add = true} : memref<106496xi32, #tpu.memory_space<vmem>>[vector<16xi32>], vector<16xi32>, vector<16xi1>
      }
      %scan3A_99 = arith.constant 64 : i32
    }
    %scan3A_90 = arith.constant 32 : i32
    "tpu.region"() ({
      %run_scoped3A = tpu.sem_alloc : memref<!tpu.dma_semaphore, #tpu.memory_space<semaphore_mem>>
      %dma_start3A = tpu.memref_slice %arg3[%mul3A_78] : memref<17039360xi32, #tpu.memory_space<hbm>> -> memref<106496xi32, #tpu.memory_space<hbm>>
      %dma_start3A_91 = tpu.memref_slice %arg3[%mul3A_78] : memref<17039360xi32, #tpu.memory_space<hbm>> -> memref<106496xi32, #tpu.memory_space<hbm>>
      tpu.enqueue_dma source(%arg5 : memref<106496xi32, #tpu.memory_space<vmem>>) target(%dma_start3A_91 : memref<106496xi32, #tpu.memory_space<hbm>>) target_semaphore(%run_scoped3A : memref<!tpu.dma_semaphore, #tpu.memory_space<semaphore_mem>>)
      %dma_wait3A = tpu.memref_slice %arg3[%mul3A_78] : memref<17039360xi32, #tpu.memory_space<hbm>> -> memref<106496xi32, #tpu.memory_space<hbm>>
      %dma_wait3A_92 = tpu.memref_slice %arg3[%mul3A_78] : memref<17039360xi32, #tpu.memory_space<hbm>> -> memref<106496xi32, #tpu.memory_space<hbm>>
      tpu.wait_dma2 semaphore(%run_scoped3A : memref<!tpu.dma_semaphore, #tpu.memory_space<semaphore_mem>>) src(%arg5 : memref<106496xi32, #tpu.memory_space<vmem>>) dst(%dma_wait3A_92 : memref<106496xi32, #tpu.memory_space<hbm>>)
      tpu.yield
    }) : () -> ()
    return
  }
}

module attributes {stable_mosaic.version = 14 : i64} {
  func.func @_key_body(%arg0: memref<256x1024xi32, #tpu.memory_space<vmem>>, %arg1: memref<256x1024xi32, #tpu.memory_space<vmem>>, %arg2: memref<256x1024xi32, #tpu.memory_space<vmem>>) attributes {dimension_semantics = [], scalar_prefetch = 0 : i64, scratch_operands = 0 : i64, tpu.core_type = #tpu.core_type<tc>} {
    %get3A = arith.constant 0 : index
    %get3A_0 = arith.constant 0 : index
    %get3A_1 = vector.load %arg1[%get3A, %get3A_0] : memref<256x1024xi32, #tpu.memory_space<vmem>>, vector<256x1024xi32>
    %mul3A = arith.constant 2048 : i32
    %mul3A_2 = vector.broadcast %mul3A : i32 to vector<256x1024xi32>
    %mul3A_3 = arith.muli %get3A_1, %mul3A_2 : vector<256x1024xi32>
    %get3A_4 = arith.constant 0 : index
    %get3A_5 = arith.constant 0 : index
    %get3A_6 = vector.load %arg0[%get3A_4, %get3A_5] : memref<256x1024xi32, #tpu.memory_space<vmem>>, vector<256x1024xi32>
    %add3A = arith.addi %mul3A_3, %get3A_6 : vector<256x1024xi32>
    %swap3A = arith.constant 0 : index
    %swap3A_7 = arith.constant 0 : index
    %swap3A_8 = vector.load %arg2[%swap3A, %swap3A_7] : memref<256x1024xi32, #tpu.memory_space<vmem>>, vector<256x1024xi32>
    tpu.vector_store %arg2[%swap3A, %swap3A_7], %add3A {strides = array<i32>} : memref<256x1024xi32, #tpu.memory_space<vmem>>, vector<256x1024xi32>,
    return
  }
}

module attributes {stable_mosaic.version = 14 : i64} {
  func.func @_tc_body(%arg0: i32, %arg1: memref<512x2048xi32, #tpu.memory_space<vmem>>, %arg2: memref<512x1xf32, #tpu.memory_space<vmem>>, %arg3: memref<1x2048xf32, #tpu.memory_space<vmem>>, %arg4: memref<512x2048xf32, #tpu.memory_space<vmem>>) attributes {dimension_semantics = [#tpu.dimension_semantics<arbitrary>], iteration_bounds = array<i64: 20>, scalar_prefetch = 0 : i64, scratch_operands = 0 : i64, tpu.core_type = #tpu.core_type<tc>, window_params = [{transform_indices = @transform_0, window_bounds = array<i64: 512, 2048>}, {transform_indices = @transform_1, window_bounds = array<i64: 512, 1>}, {pipeline_mode = #tpu.pipeline_mode<synchronous>, transform_indices = @transform_2, window_bounds = array<i64: 1, 2048>}, {transform_indices = @transform_3, window_bounds = array<i64: 512, 2048>}]} {
    %lt3A = arith.constant 16 : i32
    %lt3A_0 = arith.cmpi slt, %arg0, %lt3A : i32
    %convert_element_type3A = arith.extui %lt3A_0 : i1 to i32
    %cond3A = arith.constant 0 : i32
    %cond3A_1 = arith.cmpi ne, %convert_element_type3A, %cond3A : i32
    scf.if %cond3A_1 {
      %get3A = arith.constant 0 : index
      %get3A_6 = arith.constant 0 : index
      %get3A_7 = vector.load %arg1[%get3A, %get3A_6] : memref<512x2048xi32, #tpu.memory_space<vmem>>, vector<512x2048xi32>
      %convert_element_type3A_8 = arith.sitofp %get3A_7 : vector<512x2048xi32> to vector<512x2048xf32>
      %get3A_9 = arith.constant 0 : index
      %get3A_10 = arith.constant 0 : index
      %get3A_11 = vector.load %arg2[%get3A_9, %get3A_10] : memref<512x1xf32, #tpu.memory_space<vmem>>, vector<512x1xf32>
      %get3A_12 = arith.constant 0 : index
      %get3A_13 = arith.constant 0 : index
      %get3A_14 = vector.load %arg3[%get3A_12, %get3A_13] : memref<1x2048xf32, #tpu.memory_space<vmem>>, vector<1x2048xf32>
      %mul3A = vector.broadcast %get3A_11 : vector<512x1xf32> to vector<512x2048xf32>
      %mul3A_15 = vector.broadcast %get3A_14 : vector<1x2048xf32> to vector<512x2048xf32>
      %mul3A_16 = arith.mulf %mul3A, %mul3A_15 : vector<512x2048xf32>
      %eq3A = arith.constant 1.000000e+00 : f32
      %eq3A_17 = vector.broadcast %eq3A : f32 to vector<512x2048xf32>
      %eq3A_18 = arith.cmpf oeq, %mul3A_16, %eq3A_17 : vector<512x2048xf32>
      %gt3A = arith.constant 0.000000e+00 : f32
      %gt3A_19 = vector.broadcast %gt3A : f32 to vector<512x2048xf32>
      %gt3A_20 = arith.cmpf ogt, %convert_element_type3A_8, %gt3A_19 : vector<512x2048xf32>
      %jit3A = arith.constant -1.000000e+00 : f32
      %jit3A_21 = arith.constant 0.000000e+00 : f32
      %broadcast_in_dim3A = vector.broadcast %jit3A : f32 to vector<512x2048xf32>
      %broadcast_in_dim3A_22 = vector.broadcast %jit3A_21 : f32 to vector<512x2048xf32>
      %select_n3A = arith.select %gt3A_20, %broadcast_in_dim3A, %broadcast_in_dim3A_22 : vector<512x2048xi1>, vector<512x2048xf32>
      %select_n3A_23 = arith.select %eq3A_18, %select_n3A, %convert_element_type3A_8 : vector<512x2048xi1>, vector<512x2048xf32>
      %swap3A = arith.constant 0 : index
      %swap3A_24 = arith.constant 0 : index
      %swap3A_25 = vector.load %arg4[%swap3A, %swap3A_24] : memref<512x2048xf32, #tpu.memory_space<vmem>>, vector<512x2048xf32>
      tpu.vector_store %arg4[%swap3A, %swap3A_24], %select_n3A_23 {strides = array<i32>} : memref<512x2048xf32, #tpu.memory_space<vmem>>, vector<512x2048xf32>,
    } else {
    }
    %ge3A = arith.constant 16 : i32
    %ge3A_2 = arith.cmpi sge, %arg0, %ge3A : i32
    %convert_element_type3A_3 = arith.extui %ge3A_2 : i1 to i32
    %cond3A_4 = arith.constant 0 : i32
    %cond3A_5 = arith.cmpi ne, %convert_element_type3A_3, %cond3A_4 : i32
    scf.if %cond3A_5 {
      %broadcast_in_dim3A = arith.constant 0.000000e+00 : f32
      %broadcast_in_dim3A_6 = vector.broadcast %broadcast_in_dim3A : f32 to vector<512x2048xf32>
      %swap3A = arith.constant 0 : index
      %swap3A_7 = arith.constant 0 : index
      %swap3A_8 = vector.load %arg4[%swap3A, %swap3A_7] : memref<512x2048xf32, #tpu.memory_space<vmem>>, vector<512x2048xf32>
      tpu.vector_store %arg4[%swap3A, %swap3A_7], %broadcast_in_dim3A_6 {strides = array<i32>} : memref<512x2048xf32, #tpu.memory_space<vmem>>, vector<512x2048xf32>,
    } else {
    }
    return
  }
  func.func @transform_0(%arg0: i32) -> (i32, i32) {
    %min3A = arith.constant 15 : i32
    %min3A_0 = arith.minsi %arg0, %min3A : i32
    %c0_i32 = arith.constant 0 : i32
    %c0_i32_1 = arith.constant 0 : i32
    return %min3A_0, %c0_i32 : i32, i32
  }
  func.func @transform_1(%arg0: i32) -> (i32, i32) {
    %min3A = arith.constant 15 : i32
    %min3A_0 = arith.minsi %arg0, %min3A : i32
    %c0_i32 = arith.constant 0 : i32
    %c0_i32_1 = arith.constant 0 : i32
    return %min3A_0, %c0_i32 : i32, i32
  }
  func.func @transform_2(%arg0: i32) -> (i32, i32) {
    %c0_i32 = arith.constant 0 : i32
    %c0_i32_0 = arith.constant 0 : i32
    %c0_i32_1 = arith.constant 0 : i32
    return %c0_i32, %c0_i32_0 : i32, i32
  }
  func.func @transform_3(%arg0: i32) -> (i32, i32) {
    %c0_i32 = arith.constant 0 : i32
    %c0_i32_0 = arith.constant 0 : i32
    return %arg0, %c0_i32 : i32, i32
  }
}

</mosaic_0001>

<sc_bundles>
// kernel: kernel.5.cloned.1.call-start
scs
__scs_entry_jumppad:
0x0: {  	(pc) =	sbr.rel $0x88, $3  }
0x1: {  	(tag) =	ssettag $0x0;
	lr =	simm.s32 $0x1  }
0x2: {  	[smem:$0x3F9D] =	sst lr;
	_ =	strace $0xD0000000  }
0x3: {  	_ = 	snop  }
0x4: {  	_ = 	snop  }
0x5: {  	_ = 	snop  }
0x6: {  	_ = 	snop  }
0x7: {  	_ = 	snop  }
__scs_overlays_trampoline_lowered:
0x8: {  	[smem:$0x3FAC] =	sst s0  }
0x9: {  	[smem:$0x3FAD] =	sst s1  }
0xa: {  	[smem:$0x3FAE] =	sst s2  }
0xb: {  	[smem:$0x3FAF] =	sst s3  }
0xc: {  	[smem:$0x3FB0] =	sst s4  }
0xd: {  	[smem:$0x3FB1] =	sst s5  }
0xe: {  	[smem:$0x3FB2] =	sst s6  }
0xf: {  	[smem:$0x3FB3] =	sst s7  }
0x10: {  	[smem:$0x3FB4] =	sst s8  }
0x11: {  	[smem:$0x3FB5] =	sst s9;
	s0 =	simm.s32 @!p0 $0x0  }
0x12: {  	s1 =	sld [smem:$0x3F9B];
	s0 =	simm.s32 @p0 $0x1  }
0x13: {  	[smem:$0x3FB6] =	sst s0;
	s0 =	simm.s32 @!p1 $0x0  }
0x14: {  	s2 =	sld [smem:$0x3F9A];
	s0 =	simm.s32 @p1 $0x1  }
0x15: {  	[smem:$0x3FB7] =	sst s0;
	s0 =	simm.s32 @!p2 $0x0  }
0x16: {  	s3 =	sld [smem:$0x3FDB];
	s0 =	simm.s32 @p2 $0x1  }
0x17: {  	s4 =	simm.s32 $0x1BF5;
	[smem:$0x3FB9] =	sst s0  }
0x18: {  	s0 =	sld [smem:$0x3F9C];
	_ =	swait.ge [sflag:s4], $0x0  }
0x19: {  	s7 =	sld [smem:$0x3F9D]  }
0x1a: {  	s8 =	sadd.s32 $0xFFFFE003, lr  }
0x1b: {  	s9 =	sadd.s32 $0xFFFFFEF7, lr;
	s5 =	simm.s32 $0xFFFFFFFF;
	p2 =	slt.u32 s8, $0xFFFFF086  }
0x1c: {  	p1 =	slt.u32 s9, $0xF7A;
	s5 =	simm.s32 @!p2 $0x0  }
0x1d: {  	s5 =	simm.s32 @p1 $0x1;
	p0 =	seq.s32 s7, s2  }
0x1e: {  	s7 =	smul.u32 @!p0 $0xF7A, s2;
	p2 =	seq.s32 @!p0 s5, $0x0  }
0x1f: {  	s9 =	smul.u32 $0xF7A, s1;
	s8 =	simm.s32 @!p0 $0x1BF5;
	p2 =	por !p2, p0  }
0x20: {  	[sflag:s8] =	ssyncset.s32 @!p0 $0xFFFFF086;
	s6 =	sadd.s32 @!p0 s3, s7;
	s7 =	simm.s32 @!p0 $0x108  }
0x21: {  	s3 =	sadd.s32 s3, s9;
	s6 =	sadd.s32 @!p0 $0x88, s6;
	s7 =	simm.s32 @p2 $0x1082  }
0x22: {  	[simem:s7], [sflag:s8] =	dma.local @!p0 [hbm:s6], $0xF7A  }
0x23: {  	s9 =	sor.u32 $0xD0000000, s2;
	s6 =	simm.s32 $0x108;
	_ =	swait.ge @!p0 [sflag:s8], $0x0  }
0x24: {  	s3 =	sadd.s32 $0x88, s3;
	s6 =	simm.s32 @!p1 $0x1082;
	[sflag:s4] =	ssyncset.s32 $0xFFFFF086  }
0x25: {  	[simem:s6], [sflag:s4] =	dma.local [hbm:s3], $0xF7A  }
0x26: {  	[smem:$0x3F9D] =	sst s1;
	(tag) =	ssettag s2;
	_ =	strace s9  }
0x27: {  	s1 =	sld [smem:$0x3FAD]  }
0x28: {  	s2 =	sld [smem:$0x3FAE]  }
0x29: {  	s4 =	sld [smem:$0x3FB0]  }
0x2a: {  	p0 =	seq.s32 s5, $0x0;
	s5 =	sld [smem:$0x3FB1]  }
0x2b: {  	s6 =	sld [smem:$0x3FB2]  }
0x2c: {  	s7 =	sld [smem:$0x3FB3]  }
0x2d: {  	s3 =	simm.s32 $0x108;
	s8 =	sld [smem:$0x3FB4]  }
0x2e: {  	s3 =	simm.s32 @!p0 $0x1082;
	s9 =	sld [smem:$0x3FB5]  }
0x2f: {  	lr =	sadd.s32 s0, s3;
	s0 =	sld [smem:$0x3FAC]  }
0x30: {  	s3 =	sld [smem:$0x3FAF]  }
0x31: {  	[smem:$0x3FB8] =	sst s10  }
0x32: {  	s10 =	sld [smem:$0x3FB6];
	_ =	sdelay $0x3  }
0x33: {  	p0 =	seq.s32 s10, $0x1;
	s10 =	sld [smem:$0x3FB8];
	_ =	sdelay $0x3  }
0x34: {  	[smem:$0x3FB8] =	sst s10  }
0x35: {  	s10 =	sld [smem:$0x3FB7];
	_ =	sdelay $0x3  }
0x36: {  	p1 =	seq.s32 s10, $0x1;
	s10 =	sld [smem:$0x3FB8];
	_ =	sdelay $0x3  }
0x37: {  	[smem:$0x3FB8] =	sst s10  }
0x38: {  	s10 =	sld [smem:$0x3FB9]  }
0x39: {  	_ = 	snop;
	(pc) =	sbr.ind lr, $3  }
0x3a: {  	_ = 	snop  }
0x3b: {  	_ = 	snop  }
0x3c: {  	p2 =	seq.s32 s10, $0x1;
	s10 =	sld [smem:$0x3FB8]  }
0x3d: {  	_ =	shalt  }
0x3e: {  	_ =	shalt  }
0x3f: {  	_ =	shalt  }
0x40: {  	_ =	shalt  }
0x41: {  	_ =	shalt  }
0x42: {  	_ =	shalt  }
0x43: {  	_ =	shalt  }
0x44: {  	_ =	shalt  }
0x45: {  	_ =	shalt  }
0x46: {  	_ =	shalt  }
0x47: {  	_ =	shalt  }
0x48: {  	_ =	shalt  }
0x49: {  	_ =	shalt  }
0x4a: {  	_ =	shalt  }
0x4b: {  	_ =	shalt  }
0x4c: {  	_ =	shalt  }
0x4d: {  	_ =	shalt  }
0x4e: {  	_ =	shalt  }
0x4f: {  	_ =	shalt  }
0x50: {  	_ =	shalt  }
0x51: {  	_ =	shalt  }
0x52: {  	_ =	shalt  }
0x53: {  	_ =	shalt  }
0x54: {  	_ =	shalt  }
0x55: {  	_ =	shalt  }
0x56: {  	_ =	shalt  }
0x57: {  	_ =	shalt  }
0x58: {  	_ =	shalt  }
0x59: {  	_ =	shalt  }
0x5a: {  	_ =	shalt  }
0x5b: {  	_ =	shalt  }
0x5c: {  	_ =	shalt  }
0x5d: {  	_ =	shalt  }
0x5e: {  	_ =	shalt  }
0x5f: {  	_ =	shalt  }
0x60: {  	_ =	shalt  }
0x61: {  	_ =	shalt  }
0x62: {  	_ =	shalt  }
0x63: {  	_ =	shalt  }
0x64: {  	_ =	shalt  }
0x65: {  	_ =	shalt  }
0x66: {  	_ =	shalt  }
0x67: {  	_ =	shalt  }
0x68: {  	_ =	shalt  }
0x69: {  	_ =	shalt  }
0x6a: {  	_ =	shalt  }
0x6b: {  	_ =	shalt  }
0x6c: {  	_ =	shalt  }
0x6d: {  	_ =	shalt  }
0x6e: {  	_ =	shalt  }
0x6f: {  	_ =	shalt  }
0x70: {  	_ =	shalt  }
0x71: {  	_ =	shalt  }
0x72: {  	_ =	shalt  }
0x73: {  	_ =	shalt  }
0x74: {  	_ =	shalt  }
0x75: {  	_ =	shalt  }
0x76: {  	_ =	shalt  }
0x77: {  	_ =	shalt  }
0x78: {  	_ =	shalt  }
0x79: {  	_ =	shalt  }
0x7a: {  	_ =	shalt  }
0x7b: {  	_ =	shalt  }
0x7c: {  	_ =	shalt  }
0x7d: {  	_ =	shalt  }
0x7e: {  	_ =	shalt  }
0x7f: {  	_ =	shalt  }
0x80: {  	_ =	shalt  }
0x81: {  	_ =	shalt  }
0x82: {  	_ =	shalt  }
0x83: {  	_ =	shalt  }
0x84: {  	_ =	shalt  }
0x85: {  	_ =	shalt  }
0x86: {  	_ =	shalt  }
0x87: {  	_ =	shalt  }
.Lfunc_end0:
.L_simem_size_0:
called_computation_lowered:
.L_overlay_start_0:
0x88: {  	s2 =	sld [smem:$0x3FD9]  }
0x89: {  	s3 =	sld [smem:$0x3FFE];
	_ =	sdelay $0x1  }
0x8a: {  	s1 =	srdreg.scid  }
0x8b: {  	s0 =	sand.u32 $0x1, s1  }
0x8c: {  	s17 =	sshll.u32 s0, $0xA;
	s2 =	sadd.s32 s3, s2  }
0x8d: {  	s2 =	sadd.s32 s2, s17  }
0x8e: {  	[smem:$0x3FC4] =	sst s2  }
0x8f: {  	_ = 	snop  }
0x90: {  	s2 =	sld [smem:$0x3FD0];
	(tm) =	ssettm $0x1  }
0x91: {  	s18 =	sld [smem:$0x3FFB];
	_ =	sdelay $0x3  }
0x92: {  	_ =	strace s18  }
0x93: {  	s3 =	sld [smem:$0x3FFC];
	_ =	sdelay $0x3  }
0x94: {  	_ =	strace s3  }
0x95: {  	s3 =	sld [smem:$0x3FFD];
	_ =	sdelay $0x3  }
0x96: {  	_ =	strace s3  }
0x97: {  	_ =	strace $0x8FFFFFFF  }
0x98: {  	s19 =	sld [smem:$0x3FDB];
	_ =	sdelay $0x1  }
0x99: {  	s4 =	simm.s32 $_scs_section_size  }
0x9a: {  	s5 =	simm.s32 $_size__tile_overlayer_lowered;
	s6 =	simm.s32 $_tile_overlayer_lowered  }
0x9b: {  	s22 =	simm.s32 $0x1BFF;
	s21 =	sshll.u32 s6, $0x1;
	s3 =	sadd.s32 s4, s19  }
0x9c: {  	s7 =	simm.s32 $0x0;
	s20 =	sshll.u32 s5, $0x1;
	s5 =	sadd.s32 s21, s3  }
0x9d: {  	[timem:s7], [sflag:s22] =	dma.local [hbm:s5], s20  }
0x9e: {  	_ =	swait.ge [sflag:s22], s20  }
0x9f: {  	s4 =	ssub.s32 $0x0, s20;
	[sflag:s22] =	ssyncset.done $0x0  }
0xa0: {  	[sflag:s22] =	ssyncadd.s32 s4;
	_ =	sdelay $0x1  }
0xa1: {  	s23 =	simm.s32 $0x1B8B  }
0xa2: {  	_ =	swait.ge [sflag:s23], $0x1  }
0xa3: {  	[sflag:s23] =	ssyncset.done $0x0  }
0xa4: {  	s25 =	simm.s32 $0x1B8E;
	s24 =	sld [smem:$0x3FFE];
	[sflag:s23] =	ssyncadd.s32 $0xFFFFFFFF  }
0xa5: {  	s26 =	simm.s32 $execute0_lowered;
	[smem:$0x3FD2] =	sst s25  }
0xa6: {  	s5 =	sshll.u32 s26, $0x1;
	_ =	strace $0x80000046;
	[dreg:$0x1] =	wrdreg $0xFFFFFFFF  }
0xa7: {  	s28 =	simm.s32 $_size_execute0_lowered;
	s3 =	sadd.s32 s3, s5;
	[dreg:$0x0] =	wrdreg $0x0  }
0xa8: {  	s5 =	sshll.u32 s28, $0x1;
	[dreg:$0x2] =	wrdreg s3  }
0xa9: {  	[dreg:$0x3] =	wrdreg s5  }
0xaa: {  	[dreg:$0x4] =	wrdreg $0xC0  }
0xab: {  	_ =	task [dreg:s7], $0x5FFFF  }
0xac: {  	[dreg:$0x1] =	wrdreg $0xFFFFFFFF  }
0xad: {  	[dreg:$0x0] =	wrdreg $0x60  }
0xae: {  	[dreg:$0x2] =	wrdreg s24  }
0xaf: {  	[dreg:$0x3] =	wrdreg s2  }
0xb0: {  	[dreg:$0x4] =	wrdreg $0x9  }
0xb1: {  	_ =	task.clear_ibuf [dreg:s7], $0x5FFFF;
	_ =	strace $0x90000046  }
0xb2: {  	s29 =	simm.s32 $0x9;
	_ =	strace $0x80000048  }
0xb3: {  	_ =	swait.ge [sflag:s29], $0x1  }
0xb4: {  	[sflag:s29] =	ssyncadd.s32 $0xFFFFFFFF  }
0xb5: {  	_ =	strace $0x90000048  }
0xb6: {  	_ =	sfence  }
0xb7: {  	s30 =	sld [smem:$0x0];
	_ =	sdelay $0x2  }
0xb8: {  	s31 =	sshll.u32 s1, $0xD;
	s1 =	sshrl.u32 s1, $0x2  }
0xb9: {  	s3 =	sand.u32 $0x4000, s31;
	s1 =	sadd.s32 s1, s30  }
0xba: {  	s0 =	sor.u32 s3, s0;
	s1 =	sshll.u32 s1, $0x11  }
0xbb: {  	s0 =	sor.u32 s1, s0  }
0xbc: {  	s0 =	sadd.s32 $0x8F2B, s0  }
0xbd: {  	[sflag:s0] =	ssyncadd.remote.s32 $0x1  }
0xbe: {  	_ =	sfence.sel $0xFFFF  }
0xbf: {  	[dreg:$0x0] =	wrdreg $0xFFFFFFFF;
	(pc) =	sbr.abs _section_cstart, $3  }
0xc0: {  	[dreg:$0x1] =	wrdreg $0xFFFFFFFF  }
0xc1: {  	_ =	task.clear_ibuf [dreg:s7], $0x2FFFF;
	_ =	strace $0x9FFFFFFF  }
0xc2: {  	(tm) =	ssettm $0x7FFFFFFF  }
0xc3: {  	_ =	shalt  }
tec
execute0_lowered:
.L_overlay_start_1:
0x0: {  	(tag) =	ssettag $0x1  }
0x1: {  	s3 =	rddreg [dreg:$0x0];
	s1 =	srdreg.scid  }
0x2: {  	s0 =	stileid.u32;
	s8 =	rddreg [dreg:$0x1]  }
0x3: {  	s2 =	simm.s32 $0x0;
	s4 =	sand.u32 $0x1, s1;
	s5 =	sshll.u32 s0, $0x1  }
0x4: {  	s1 =	rddreg [dreg:$0x2];
	s5 =	sor.u32 s4, s5;
	s4 =	ssub.s32 $0x2, s4  }
0x5: {  	[smem:$0x7FF] =	sst s2;
	s7 =	smul.u32 $0x1A000, s5;
	s29 =	sshrl.u32 s4, $0x1  }
0x6: {  	s3 =	sadd.s32 $0x800, s3;
	_ =	strace $0x80000047;
	s10 =	ssub.s32 s4, s29  }
0x7: {  	s9 =	sadd.s32 $0x340000, s7;
	s30 =	sshrl.u32 s7, $0x3;
	s11 =	sadd.s32 $0x680000, s7  }
0x8: {  	s12 =	sadd.s32 $0x9C0000, s7;
	s13 =	sadd.s32 $0xD00000, s7;
	s31 =	sshrl.u32 s9, $0x3  }
0x9: {  	s4 =	sadd.s32 s8, s30;
	s6 =	sshrl.u32 s11, $0x3;
	s14 =	sshrl.u32 s12, $0x3  }
0xa: {  	s15 =	sshrl.u32 s13, $0x3;
	v1 =	vmov s9;
	s9 =	smax.u32 s10, $0x1;
	s10 =	simm.s32 $0x1  }
0xb: {  	v2 =	vmov s11;
	v3 =	vmov s12;
	s11 =	simm.s32 $0x2000;
	s12 =	simm.s32 $0x0;
	s5 =	sadd.s32 s8, s31  }
0xc: {  	v5 =	vimm.s32 $0x0;
	v0 =	vmov s7;
	v4 =	vmov s13;
	s6 =	sadd.s32 s8, s6;
	s7 =	sadd.s32 s8, s14;
	s8 =	sadd.s32 s8, s15  }
.LBB2_1:
0xd: {  	s14 =	simm.s32 $0x0;
	s13 =	simm.s32 $0x200  }
.LBB2_2:
0xe: {  	p0 =	sne.s32 s13, $0x67E00;
	[tilespmem:s14+$0x2070] =	vst v5  }
0xf: {  	[tilespmem:s14+$0x2000] =	vst v5  }
0x10: {  	[tilespmem:s14+$0x2010] =	vst v5  }
.Ltmp0:
0x11: {  	[tilespmem:s14+$0x2020] =	vst v5;
	(pc) =	sbr.rel @p0 .LBB2_2-.Ltmp0, $4  }
0x12: {  	[tilespmem:s14+$0x2030] =	vst v5  }
0x13: {  	[tilespmem:s14+$0x2040] =	vst v5  }
0x14: {  	[tilespmem:s14+$0x2050] =	vst v5  }
0x15: {  	[tilespmem:s14+$0x2060] =	vst v5;
	s14 =	sshra.s32 s13, $0x2;
	s13 =	sadd.s32 $0x200, s13  }
0x16: {  	[tilespmem:s14+$0x2070] =	vst v5  }
0x17: {  	[tilespmem:s14+$0x2000] =	vst v5  }
0x18: {  	[tilespmem:s14+$0x2010] =	vst v5  }
0x19: {  	[tilespmem:s14+$0x2020] =	vst v5  }
0x1a: {  	[tilespmem:s14+$0x2030] =	vst v5  }
0x1b: {  	[tilespmem:s14+$0x2040] =	vst v5  }
0x1c: {  	[tilespmem:s14+$0x2050] =	vst v5  }
0x1d: {  	s13 =	simm.s32 $0x0;
	[tilespmem:s14+$0x2060] =	vst v5;
	s14 =	simm.s32 $0x0  }
.LBB2_4:
0x1e: {  	s15 =	sshll.u32 s14, $0xA  }
0x1f: {  	s15 =	sadd.s32 s3, s15  }
0x20: {  	[tilespmem:s13], [sflag:$0x1] =	stream.linear.gather [hbm4b:s15+s13], $0x2000, $0x38;
	[tilespmem:$0x1C000] =	vst v63  }
0x21: {  	_ =	swait.ge [sflag:s10], $0x2000  }
0x22: {  	[sflag:s10] =	ssyncset.done $0x0  }
0x23: {  	s31 =	simm.s32 $0x0;
	[sflag:s10] =	ssyncadd.s32 $0xFFFFE000  }
0x24: {  	v6 =	vld [tilespmem:s31+$0x0]  }
0x25: {  	v7 =	vld [tilespmem:s31+$0x10]  }
0x26: {  	v8 =	vld [tilespmem:s31+$0x20]  }
0x27: {  	v9 =	vld [tilespmem:s31+$0x30]  }
0x28: {  	v10 =	vld [tilespmem:s31+$0x40]  }
0x29: {  	v11 =	vsub.s32 v6, v0  }
0x2a: {  	v13 =	vsub.s32 v7, v0;
	vm7 =	vlt.u32 v11, $0x1A000  }
0x2b: {  	v15 =	vsub.s32 v8, v0;
	vm6 =	vlt.u32 v13, $0x1A000;
	(xrf1) =	vunique.msk.u32 vm7, v11  }
0x2c: {  	v12 =	vld [tilespmem:s31+$0x50];
	v16 =	vsub.s32 v9, v0;
	vm5 =	vlt.u32 v15, $0x1A000;
	(xrf1) =	vunique.msk.u32 vm6, v13  }
0x2d: {  	v14 =	vld [tilespmem:s31+$0x60];
	v17 =	vsub.s32 v10, v0;
	vm4 =	vlt.u32 v16, $0x1A000;
	(xrf1) =	vunique.msk.u32 vm5, v15  }
0x2e: {  	vm3 =	vlt.u32 v17, $0x1A000;
	(xrf1) =	vunique.msk.u32 vm4, v16  }
0x2f: {  	v20 =	vld [tilespmem:s31+$0x70];
	(xrf1) =	vunique.msk.u32 vm3, v17;
	_ =	sdelay $0x1  }
0x30: {  	v18 =	vsub.s32 v12, v0  }
0x31: {  	v19 =	vsub.s32 v14, v0;
	vm1 =	vlt.u32 v18, $0x1A000  }
0x32: {  	vm2 =	vlt.u32 v19, $0x1A000;
	(xrf1) =	vunique.msk.u32 vm1, v18  }
0x33: {  	v21 =	vsub.s32 v20, v0;
	(xrf1) =	vunique.msk.u32 vm2, v19  }
0x34: {  	vm0 =	vlt.u32 v21, $0x1A000  }
0x35: {  	(xrf1) =	vunique.msk.u32 vm0, v21;
	_ =	sdelay $0x1  }
0x36: {  	v6 =	vand.u32 $0x7F, v6  }
0x37: {  	v10 =	vand.u32 $0x7F, v10;
	v7 =	vand.u32 $0x7F, v7;
	v8 =	vand.u32 $0x7F, v8;
	_, v22, vm8 =	vpop (xrf1)  }
0x38: {  	v9 =	vand.u32 $0x7F, v9;
	v11 =	vand.u32 $0xFFFFFF80, v11;
	vm7 =	vmand vm7, vm8;
	_, v23, vm14 =	vpop (xrf1)  }
0x39: {  	v13 =	vand.u32 $0xFFFFFF80, v13;
	v6 =	vor.u32 v6, v11;
	vm6 =	vmand vm6, vm14;
	_, v58, vm15 =	vpop (xrf1)  }
0x3a: {  	v15 =	vand.u32 $0xFFFFFF80, v15;
	v7 =	vor.u32 v7, v13;
	vm5 =	vmand vm5, vm15;
	_, v59, vm12 =	vpop (xrf1)  }
0x3b: {  	v16 =	vand.u32 $0xFFFFFF80, v16;
	v8 =	vor.u32 v8, v15;
	vm4 =	vmand vm4, vm12;
	_, v60, vm13 =	vpop (xrf1)  }
0x3c: {  	v61 =	vand.u32 $0xFFFFFF80, v17;
	v9 =	vor.u32 v9, v16;
	vm3 =	vmand vm3, vm13  }
0x3d: {  	v10 =	vor.u32 v10, v61  }
0x3e: {  	[tilespmem:v6+s11+$0x0] =	vst.idx.add.s32.msk vm7, v22;
	v6 =	vand.u32 $0x7F, v14  }
0x3f: {  	_, v62, vm14 =	vpop (xrf1);
	[tilespmem:v7+s11+$0x0] =	vst.idx.add.s32.msk vm6, v23  }
0x40: {  	v12 =	vand.u32 $0x7F, v12;
	v18 =	vand.u32 $0xFFFFFF80, v18;
	vm1 =	vmand vm1, vm14;
	_, v63, vm15 =	vpop (xrf1);
	[tilespmem:v8+s11+$0x0] =	vst.idx.add.s32.msk vm5, v58  }
0x41: {  	v19 =	vand.u32 $0xFFFFFF80, v19;
	v12 =	vor.u32 v12, v18;
	vm2 =	vmand vm2, vm15;
	[tilespmem:v9+s11+$0x0] =	vst.idx.add.s32.msk vm4, v59  }
0x42: {  	v14 =	vor.u32 v6, v19;
	[tilespmem:v10+s11+$0x0] =	vst.idx.add.s32.msk vm3, v60;
	_, v6, vm3 =	vpop (xrf1)  }
0x43: {  	v7 =	vand.u32 $0xFFFFFF80, v21;
	v8 =	vand.u32 $0x7F, v20;
	vm0 =	vmand vm0, vm3  }
0x44: {  	v7 =	vor.u32 v8, v7;
	_ =	sdelay $0x1  }
0x45: {  	[tilespmem:v12+s11+$0x0] =	vst.idx.add.s32.msk vm1, v62  }
0x46: {  	s16 =	simm.s32 $0x400;
	s15 =	simm.s32 $0x200;
	[tilespmem:v14+s11+$0x0] =	vst.idx.add.s32.msk vm2, v63  }
.LBB2_5:
0x47: {  	p0 =	sne.s32 s16, $0x7E00  }
0x48: {  	s17 =	sshra.s32 s15, $0x2;
	[tilespmem:v7+s11+$0x0] =	vst.idx.add.s32.msk vm0, v6;
	s15 =	smov.u32 s16;
	s16 =	sadd.s32 $0x200, s16  }
0x49: {  	v6 =	vld [tilespmem:s17+$0x0]  }
0x4a: {  	v7 =	vld [tilespmem:s17+$0x10]  }
0x4b: {  	v8 =	vld [tilespmem:s17+$0x20]  }
0x4c: {  	v9 =	vld [tilespmem:s17+$0x30]  }
0x4d: {  	v10 =	vld [tilespmem:s17+$0x40]  }
0x4e: {  	v11 =	vsub.s32 v6, v0;
	v12 =	vld [tilespmem:s17+$0x50]  }
0x4f: {  	vm1 =	vlt.u32 v11, $0x1A000;
	v13 =	vsub.s32 v7, v0;
	v14 =	vld [tilespmem:s17+$0x60];
	v15 =	vand.u32 $0xFFFFFF80, v11  }
0x50: {  	vm2 =	vlt.u32 v13, $0x1A000;
	v16 =	vsub.s32 v8, v0;
	v17 =	vld [tilespmem:s17+$0x70];
	v18 =	vand.u32 $0xFFFFFF80, v13;
	(xrf1) =	vunique.msk.u32 vm1, v11  }
0x51: {  	vm5 =	vlt.u32 v16, $0x1A000;
	v11 =	vsub.s32 v9, v0;
	v19 =	vand.u32 $0xFFFFFF80, v16;
	(xrf1) =	vunique.msk.u32 vm2, v13  }
0x52: {  	vm6 =	vlt.u32 v11, $0x1A000;
	v13 =	vsub.s32 v10, v0;
	v20 =	vand.u32 $0xFFFFFF80, v11;
	(xrf1) =	vunique.msk.u32 vm5, v16  }
0x53: {  	vm7 =	vlt.u32 v13, $0x1A000;
	v16 =	vsub.s32 v12, v0;
	(xrf1) =	vunique.msk.u32 vm6, v11  }
0x54: {  	vm3 =	vlt.u32 v16, $0x1A000;
	v11 =	vsub.s32 v14, v0;
	v21 =	vand.u32 $0xFFFFFF80, v16;
	(xrf1) =	vunique.msk.u32 vm7, v13  }
0x55: {  	vm4 =	vlt.u32 v11, $0x1A000;
	v22 =	vsub.s32 v17, v0;
	v23 =	vand.u32 $0xFFFFFF80, v11;
	(xrf1) =	vunique.msk.u32 vm3, v16  }
0x56: {  	vm0 =	vlt.u32 v22, $0x1A000;
	v16 =	vand.u32 $0xFFFFFF80, v22;
	(xrf1) =	vunique.msk.u32 vm4, v11  }
0x57: {  	(xrf1) =	vunique.msk.u32 vm0, v22;
	_ =	sdelay $0x6  }
0x58: {  	_, v11, vm8 =	vpop (xrf1)  }
0x59: {  	v6 =	vand.u32 $0x7F, v6;
	v10 =	vand.u32 $0x7F, v10;
	vm1 =	vmand vm1, vm8;
	_, v22, vm8 =	vpop (xrf1)  }
0x5a: {  	v7 =	vand.u32 $0x7F, v7;
	v6 =	vor.u32 v6, v15;
	vm2 =	vmand vm2, vm8;
	_, v15, vm8 =	vpop (xrf1)  }
0x5b: {  	v8 =	vand.u32 $0x7F, v8;
	v7 =	vor.u32 v7, v18;
	vm5 =	vmand vm5, vm8;
	_, v18, vm8 =	vpop (xrf1)  }
0x5c: {  	v9 =	vand.u32 $0x7F, v9;
	v8 =	vor.u32 v8, v19;
	vm6 =	vmand vm6, vm8;
	_, v19, vm8 =	vpop (xrf1)  }
0x5d: {  	v9 =	vor.u32 v9, v20;
	v24 =	vand.u32 $0xFFFFFF80, v13;
	vm7 =	vmand vm7, vm8;
	_, v20, vm8 =	vpop (xrf1)  }
0x5e: {  	v12 =	vand.u32 $0x7F, v12;
	v10 =	vor.u32 v10, v24;
	vm3 =	vmand vm3, vm8;
	_, v13, vm8 =	vpop (xrf1)  }
0x5f: {  	vm4 =	vmand vm4, vm8;
	[tilespmem:v6+s11+$0x0] =	vst.idx.add.s32.msk vm1, v11;
	v11 =	vor.u32 v12, v21;
	v12 =	vand.u32 $0x7F, v14;
	_, v6, vm1 =	vpop (xrf1)  }
0x60: {  	vm0 =	vmand vm0, vm1;
	[tilespmem:v7+s11+$0x0] =	vst.idx.add.s32.msk vm2, v22;
	v12 =	vor.u32 v12, v23;
	v7 =	vand.u32 $0x7F, v17  }
.Ltmp1:
0x61: {  	[tilespmem:v8+s11+$0x0] =	vst.idx.add.s32.msk vm5, v15;
	v7 =	vor.u32 v7, v16;
	(pc) =	sbr.rel @p0 .LBB2_5-.Ltmp1, $4  }
0x62: {  	[tilespmem:v9+s11+$0x0] =	vst.idx.add.s32.msk vm6, v18  }
0x63: {  	[tilespmem:v10+s11+$0x0] =	vst.idx.add.s32.msk vm7, v19  }
0x64: {  	[tilespmem:v11+s11+$0x0] =	vst.idx.add.s32.msk vm3, v20  }
0x65: {  	[tilespmem:v12+s11+$0x0] =	vst.idx.add.s32.msk vm4, v13  }
0x66: {  	_ =	sdelay $0x4  }
0x67: {  	s15 =	sshra.s32 s15, $0x2;
	[tilespmem:v7+s11+$0x0] =	vst.idx.add.s32.msk vm0, v6  }
0x68: {  	v6 =	vld [tilespmem:s15+$0x0]  }
0x69: {  	v7 =	vld [tilespmem:s15+$0x10]  }
0x6a: {  	v8 =	vld [tilespmem:s15+$0x20]  }
0x6b: {  	v9 =	vld [tilespmem:s15+$0x30]  }
0x6c: {  	v10 =	vld [tilespmem:s15+$0x40]  }
0x6d: {  	v12 =	vld [tilespmem:s15+$0x50];
	v11 =	vsub.s32 v6, v0  }
0x6e: {  	v14 =	vld [tilespmem:s15+$0x60];
	v13 =	vsub.s32 v7, v0;
	vm7 =	vlt.u32 v11, $0x1A000  }
0x6f: {  	v16 =	vld [tilespmem:s15+$0x70];
	v15 =	vsub.s32 v8, v0;
	vm5 =	vlt.u32 v13, $0x1A000;
	(xrf1) =	vunique.msk.u32 vm7, v11  }
0x70: {  	v17 =	vsub.s32 v9, v0;
	vm6 =	vlt.u32 v15, $0x1A000;
	(xrf1) =	vunique.msk.u32 vm5, v13  }
0x71: {  	v18 =	vsub.s32 v10, v0;
	vm4 =	vlt.u32 v17, $0x1A000;
	(xrf1) =	vunique.msk.u32 vm6, v15  }
0x72: {  	v19 =	vsub.s32 v12, v0;
	vm3 =	vlt.u32 v18, $0x1A000;
	(xrf1) =	vunique.msk.u32 vm4, v17  }
0x73: {  	v20 =	vsub.s32 v14, v0;
	vm2 =	vlt.u32 v19, $0x1A000;
	(xrf1) =	vunique.msk.u32 vm3, v18  }
0x74: {  	v21 =	vsub.s32 v16, v0;
	vm1 =	vlt.u32 v20, $0x1A000;
	(xrf1) =	vunique.msk.u32 vm2, v19  }
0x75: {  	vm0 =	vlt.u32 v21, $0x1A000;
	(xrf1) =	vunique.msk.u32 vm1, v20  }
0x76: {  	(xrf1) =	vunique.msk.u32 vm0, v21;
	_ =	sdelay $0x4  }
0x77: {  	v6 =	vand.u32 $0x7F, v6  }
0x78: {  	v10 =	vand.u32 $0x7F, v10;
	v7 =	vand.u32 $0x7F, v7;
	v8 =	vand.u32 $0x7F, v8  }
0x79: {  	v9 =	vand.u32 $0x7F, v9;
	v12 =	vand.u32 $0x7F, v12;
	v60 =	vand.u32 $0x7F, v14;
	_, v22, vm8 =	vpop (xrf1)  }
0x7a: {  	v62 =	vand.u32 $0x7F, v16;
	v11 =	vand.u32 $0xFFFFFF80, v11;
	vm7 =	vmand vm7, vm8;
	_, v23, vm13 =	vpop (xrf1)  }
0x7b: {  	v13 =	vand.u32 $0xFFFFFF80, v13;
	v6 =	vor.u32 v6, v11;
	vm5 =	vmand vm5, vm13;
	_, v54, vm14 =	vpop (xrf1)  }
0x7c: {  	v15 =	vand.u32 $0xFFFFFF80, v15;
	v7 =	vor.u32 v7, v13;
	vm6 =	vmand vm6, vm14;
	_, v55, vm15 =	vpop (xrf1)  }
0x7d: {  	v17 =	vand.u32 $0xFFFFFF80, v17;
	v8 =	vor.u32 v8, v15;
	vm4 =	vmand vm4, vm15;
	_, v56, vm12 =	vpop (xrf1)  }
0x7e: {  	v57 =	vand.u32 $0xFFFFFF80, v18;
	v9 =	vor.u32 v9, v17;
	vm3 =	vmand vm3, vm12;
	_, v58, vm13 =	vpop (xrf1)  }
0x7f: {  	v10 =	vor.u32 v10, v57;
	v19 =	vand.u32 $0xFFFFFF80, v19;
	vm2 =	vmand vm2, vm13;
	_, v59, vm14 =	vpop (xrf1)  }
0x80: {  	v20 =	vand.u32 $0xFFFFFF80, v20;
	vm1 =	vmand vm1, vm14;
	[tilespmem:v6+s11+$0x0] =	vst.idx.add.s32.msk vm7, v22;
	v6 =	vor.u32 v12, v19;
	_, v61, vm15 =	vpop (xrf1)  }
0x81: {  	s14 =	sadd.s32 $0x1, s14;
	v21 =	vand.u32 $0xFFFFFF80, v21;
	vm0 =	vmand vm0, vm15;
	[tilespmem:v7+s11+$0x0] =	vst.idx.add.s32.msk vm5, v23;
	v7 =	vor.u32 v60, v20  }
0x82: {  	p0 =	sne.s32 s14, $0x20;
	v63 =	vor.u32 v62, v21;
	[tilespmem:v8+s11+$0x0] =	vst.idx.add.s32.msk vm6, v54  }
.Ltmp2:
0x83: {  	[tilespmem:v9+s11+$0x0] =	vst.idx.add.s32.msk vm4, v55;
	(pc) =	sbr.rel @p0 .LBB2_4-.Ltmp2, $4  }
0x84: {  	[tilespmem:v10+s11+$0x0] =	vst.idx.add.s32.msk vm3, v56  }
0x85: {  	[tilespmem:v6+s11+$0x0] =	vst.idx.add.s32.msk vm2, v58  }
0x86: {  	[tilespmem:v7+s11+$0x0] =	vst.idx.add.s32.msk vm1, v59  }
0x87: {  	[tilespmem:v63+s11+$0x0] =	vst.idx.add.s32.msk vm0, v61  }
0x88: {  	s13 =	simm.s32 $0x0  }
0x89: {  	[hbm4b:s4+s13] =	stream.linear.scatter [tilespmem:s11], [sflag:$0x1], $0x1A000, $0x38;
	[tilespmem:$0x1C000] =	vst v63  }
0x8a: {  	_ =	swait.ge [sflag:s10], $0x1A000  }
0x8b: {  	[sflag:s10] =	ssyncset.done $0x0  }
0x8c: {  	s14 =	simm.s32 $0x0;
	s15 =	simm.s32 $0x200;
	[sflag:s10] =	ssyncadd.s32 $0xFFFE6000  }
.LBB2_8:
0x8d: {  	p0 =	sne.s32 s15, $0x67E00;
	[tilespmem:s14+$0x2070] =	vst v5  }
0x8e: {  	[tilespmem:s14+$0x2000] =	vst v5  }
0x8f: {  	[tilespmem:s14+$0x2010] =	vst v5  }
.Ltmp3:
0x90: {  	[tilespmem:s14+$0x2020] =	vst v5;
	(pc) =	sbr.rel @p0 .LBB2_8-.Ltmp3, $4  }
0x91: {  	[tilespmem:s14+$0x2030] =	vst v5  }
0x92: {  	[tilespmem:s14+$0x2040] =	vst v5  }
0x93: {  	[tilespmem:s14+$0x2050] =	vst v5  }
0x94: {  	[tilespmem:s14+$0x2060] =	vst v5;
	s14 =	sshra.s32 s15, $0x2;
	s15 =	sadd.s32 $0x200, s15  }
0x95: {  	[tilespmem:s14+$0x2070] =	vst v5  }
0x96: {  	[tilespmem:s14+$0x2000] =	vst v5  }
0x97: {  	[tilespmem:s14+$0x2010] =	vst v5  }
0x98: {  	[tilespmem:s14+$0x2020] =	vst v5  }
0x99: {  	[tilespmem:s14+$0x2030] =	vst v5  }
0x9a: {  	[tilespmem:s14+$0x2040] =	vst v5  }
0x9b: {  	[tilespmem:s14+$0x2050] =	vst v5  }
0x9c: {  	[tilespmem:s14+$0x2060] =	vst v5  }
.LBB2_10:
0x9d: {  	s14 =	sshll.u32 s13, $0xA  }
0x9e: {  	s15 =	simm.s32 $0x0;
	s14 =	sadd.s32 s3, s14  }
0x9f: {  	[tilespmem:s15], [sflag:$0x1] =	stream.linear.gather [hbm4b:s14+s15], $0x2000, $0x38;
	[tilespmem:$0x1C000] =	vst v63  }
0xa0: {  	_ =	swait.ge [sflag:s10], $0x2000  }
0xa1: {  	[sflag:s10] =	ssyncset.done $0x0  }
0xa2: {  	s31 =	simm.s32 $0x0;
	[sflag:s10] =	ssyncadd.s32 $0xFFFFE000  }
0xa3: {  	v6 =	vld [tilespmem:s31+$0x0]  }
0xa4: {  	v7 =	vld [tilespmem:s31+$0x10]  }
0xa5: {  	v8 =	vld [tilespmem:s31+$0x20]  }
0xa6: {  	v9 =	vld [tilespmem:s31+$0x30]  }
0xa7: {  	v10 =	vld [tilespmem:s31+$0x40]  }
0xa8: {  	v11 =	vsub.s32 v6, v1  }
0xa9: {  	v13 =	vsub.s32 v7, v1;
	vm7 =	vlt.u32 v11, $0x1A000  }
0xaa: {  	v15 =	vsub.s32 v8, v1;
	vm6 =	vlt.u32 v13, $0x1A000;
	(xrf1) =	vunique.msk.u32 vm7, v11  }
0xab: {  	v12 =	vld [tilespmem:s31+$0x50];
	v16 =	vsub.s32 v9, v1;
	vm5 =	vlt.u32 v15, $0x1A000;
	(xrf1) =	vunique.msk.u32 vm6, v13  }
0xac: {  	v14 =	vld [tilespmem:s31+$0x60];
	v17 =	vsub.s32 v10, v1;
	vm4 =	vlt.u32 v16, $0x1A000;
	(xrf1) =	vunique.msk.u32 vm5, v15  }
0xad: {  	vm3 =	vlt.u32 v17, $0x1A000;
	(xrf1) =	vunique.msk.u32 vm4, v16  }
0xae: {  	v20 =	vld [tilespmem:s31+$0x70];
	(xrf1) =	vunique.msk.u32 vm3, v17;
	_ =	sdelay $0x1  }
0xaf: {  	v18 =	vsub.s32 v12, v1  }
0xb0: {  	v19 =	vsub.s32 v14, v1;
	vm1 =	vlt.u32 v18, $0x1A000  }
0xb1: {  	vm2 =	vlt.u32 v19, $0x1A000;
	(xrf1) =	vunique.msk.u32 vm1, v18  }
0xb2: {  	v21 =	vsub.s32 v20, v1;
	(xrf1) =	vunique.msk.u32 vm2, v19  }
0xb3: {  	vm0 =	vlt.u32 v21, $0x1A000  }
0xb4: {  	(xrf1) =	vunique.msk.u32 vm0, v21;
	_ =	sdelay $0x1  }
0xb5: {  	v6 =	vand.u32 $0x7F, v6  }
0xb6: {  	v10 =	vand.u32 $0x7F, v10;
	v7 =	vand.u32 $0x7F, v7;
	v8 =	vand.u32 $0x7F, v8;
	_, v22, vm8 =	vpop (xrf1)  }
0xb7: {  	v9 =	vand.u32 $0x7F, v9;
	v11 =	vand.u32 $0xFFFFFF80, v11;
	vm7 =	vmand vm7, vm8;
	_, v23, vm14 =	vpop (xrf1)  }
0xb8: {  	v13 =	vand.u32 $0xFFFFFF80, v13;
	v6 =	vor.u32 v6, v11;
	vm6 =	vmand vm6, vm14;
	_, v58, vm15 =	vpop (xrf1)  }
0xb9: {  	v15 =	vand.u32 $0xFFFFFF80, v15;
	v7 =	vor.u32 v7, v13;
	vm5 =	vmand vm5, vm15;
	_, v59, vm12 =	vpop (xrf1)  }
0xba: {  	v16 =	vand.u32 $0xFFFFFF80, v16;
	v8 =	vor.u32 v8, v15;
	vm4 =	vmand vm4, vm12;
	_, v60, vm13 =	vpop (xrf1)  }
0xbb: {  	v61 =	vand.u32 $0xFFFFFF80, v17;
	v9 =	vor.u32 v9, v16;
	vm3 =	vmand vm3, vm13  }
0xbc: {  	v10 =	vor.u32 v10, v61  }
0xbd: {  	[tilespmem:v6+s11+$0x0] =	vst.idx.add.s32.msk vm7, v22;
	v6 =	vand.u32 $0x7F, v14  }
0xbe: {  	_, v62, vm14 =	vpop (xrf1);
	[tilespmem:v7+s11+$0x0] =	vst.idx.add.s32.msk vm6, v23  }
0xbf: {  	v12 =	vand.u32 $0x7F, v12;
	v18 =	vand.u32 $0xFFFFFF80, v18;
	vm1 =	vmand vm1, vm14;
	_, v63, vm15 =	vpop (xrf1);
	[tilespmem:v8+s11+$0x0] =	vst.idx.add.s32.msk vm5, v58  }
0xc0: {  	v19 =	vand.u32 $0xFFFFFF80, v19;
	v12 =	vor.u32 v12, v18;
	vm2 =	vmand vm2, vm15;
	[tilespmem:v9+s11+$0x0] =	vst.idx.add.s32.msk vm4, v59  }
0xc1: {  	v14 =	vor.u32 v6, v19;
	[tilespmem:v10+s11+$0x0] =	vst.idx.add.s32.msk vm3, v60;
	_, v6, vm3 =	vpop (xrf1)  }
0xc2: {  	v7 =	vand.u32 $0xFFFFFF80, v21;
	v8 =	vand.u32 $0x7F, v20;
	vm0 =	vmand vm0, vm3  }
0xc3: {  	v7 =	vor.u32 v8, v7;
	_ =	sdelay $0x1  }
0xc4: {  	[tilespmem:v12+s11+$0x0] =	vst.idx.add.s32.msk vm1, v62  }
0xc5: {  	s14 =	simm.s32 $0x200;
	s15 =	simm.s32 $0x400;
	[tilespmem:v14+s11+$0x0] =	vst.idx.add.s32.msk vm2, v63  }
.LBB2_11:
0xc6: {  	p0 =	sne.s32 s15, $0x7E00  }
0xc7: {  	s16 =	sshra.s32 s14, $0x2;
	[tilespmem:v7+s11+$0x0] =	vst.idx.add.s32.msk vm0, v6;
	s14 =	smov.u32 s15;
	s15 =	sadd.s32 $0x200, s15  }
0xc8: {  	v6 =	vld [tilespmem:s16+$0x0]  }
0xc9: {  	v7 =	vld [tilespmem:s16+$0x10]  }
0xca: {  	v8 =	vld [tilespmem:s16+$0x20]  }
0xcb: {  	v9 =	vld [tilespmem:s16+$0x30]  }
0xcc: {  	v10 =	vld [tilespmem:s16+$0x40]  }
0xcd: {  	v11 =	vsub.s32 v6, v1;
	v12 =	vld [tilespmem:s16+$0x50]  }
0xce: {  	vm1 =	vlt.u32 v11, $0x1A000;
	v13 =	vsub.s32 v7, v1;
	v14 =	vld [tilespmem:s16+$0x60];
	v15 =	vand.u32 $0xFFFFFF80, v11  }
0xcf: {  	vm2 =	vlt.u32 v13, $0x1A000;
	v16 =	vsub.s32 v8, v1;
	v17 =	vld [tilespmem:s16+$0x70];
	v18 =	vand.u32 $0xFFFFFF80, v13;
	(xrf1) =	vunique.msk.u32 vm1, v11  }
0xd0: {  	vm5 =	vlt.u32 v16, $0x1A000;
	v11 =	vsub.s32 v9, v1;
	v19 =	vand.u32 $0xFFFFFF80, v16;
	(xrf1) =	vunique.msk.u32 vm2, v13  }
0xd1: {  	vm6 =	vlt.u32 v11, $0x1A000;
	v13 =	vsub.s32 v10, v1;
	v20 =	vand.u32 $0xFFFFFF80, v11;
	(xrf1) =	vunique.msk.u32 vm5, v16  }
0xd2: {  	vm7 =	vlt.u32 v13, $0x1A000;
	v16 =	vsub.s32 v12, v1;
	(xrf1) =	vunique.msk.u32 vm6, v11  }
0xd3: {  	vm3 =	vlt.u32 v16, $0x1A000;
	v11 =	vsub.s32 v14, v1;
	v21 =	vand.u32 $0xFFFFFF80, v16;
	(xrf1) =	vunique.msk.u32 vm7, v13  }
0xd4: {  	vm4 =	vlt.u32 v11, $0x1A000;
	v22 =	vsub.s32 v17, v1;
	v23 =	vand.u32 $0xFFFFFF80, v11;
	(xrf1) =	vunique.msk.u32 vm3, v16  }
0xd5: {  	vm0 =	vlt.u32 v22, $0x1A000;
	v16 =	vand.u32 $0xFFFFFF80, v22;
	(xrf1) =	vunique.msk.u32 vm4, v11  }
0xd6: {  	(xrf1) =	vunique.msk.u32 vm0, v22;
	_ =	sdelay $0x6  }
0xd7: {  	_, v11, vm8 =	vpop (xrf1)  }
0xd8: {  	v6 =	vand.u32 $0x7F, v6;
	v10 =	vand.u32 $0x7F, v10;
	vm1 =	vmand vm1, vm8;
	_, v22, vm8 =	vpop (xrf1)  }
0xd9: {  	v7 =	vand.u32 $0x7F, v7;
	v6 =	vor.u32 v6, v15;
	vm2 =	vmand vm2, vm8;
	_, v15, vm8 =	vpop (xrf1)  }
0xda: {  	v8 =	vand.u32 $0x7F, v8;
	v7 =	vor.u32 v7, v18;
	vm5 =	vmand vm5, vm8;
	_, v18, vm8 =	vpop (xrf1)  }
0xdb: {  	v9 =	vand.u32 $0x7F, v9;
	v8 =	vor.u32 v8, v19;
	vm6 =	vmand vm6, vm8;
	_, v19, vm8 =	vpop (xrf1)  }
0xdc: {  	v9 =	vor.u32 v9, v20;
	v24 =	vand.u32 $0xFFFFFF80, v13;
	vm7 =	vmand vm7, vm8;
	_, v20, vm8 =	vpop (xrf1)  }
0xdd: {  	v12 =	vand.u32 $0x7F, v12;
	v10 =	vor.u32 v10, v24;
	vm3 =	vmand vm3, vm8;
	_, v13, vm8 =	vpop (xrf1)  }
0xde: {  	vm4 =	vmand vm4, vm8;
	[tilespmem:v6+s11+$0x0] =	vst.idx.add.s32.msk vm1, v11;
	v11 =	vor.u32 v12, v21;
	v12 =	vand.u32 $0x7F, v14;
	_, v6, vm1 =	vpop (xrf1)  }
0xdf: {  	vm0 =	vmand vm0, vm1;
	[tilespmem:v7+s11+$0x0] =	vst.idx.add.s32.msk vm2, v22;
	v12 =	vor.u32 v12, v23;
	v7 =	vand.u32 $0x7F, v17  }
.Ltmp4:
0xe0: {  	[tilespmem:v8+s11+$0x0] =	vst.idx.add.s32.msk vm5, v15;
	v7 =	vor.u32 v7, v16;
	(pc) =	sbr.rel @p0 .LBB2_11-.Ltmp4, $4  }
0xe1: {  	[tilespmem:v9+s11+$0x0] =	vst.idx.add.s32.msk vm6, v18  }
0xe2: {  	[tilespmem:v10+s11+$0x0] =	vst.idx.add.s32.msk vm7, v19  }
0xe3: {  	[tilespmem:v11+s11+$0x0] =	vst.idx.add.s32.msk vm3, v20  }
0xe4: {  	[tilespmem:v12+s11+$0x0] =	vst.idx.add.s32.msk vm4, v13  }
0xe5: {  	_ =	sdelay $0x4  }
0xe6: {  	s14 =	sshra.s32 s14, $0x2;
	[tilespmem:v7+s11+$0x0] =	vst.idx.add.s32.msk vm0, v6  }
0xe7: {  	v6 =	vld [tilespmem:s14+$0x0]  }
0xe8: {  	v7 =	vld [tilespmem:s14+$0x10]  }
0xe9: {  	v8 =	vld [tilespmem:s14+$0x20]  }
0xea: {  	v9 =	vld [tilespmem:s14+$0x30]  }
0xeb: {  	v10 =	vld [tilespmem:s14+$0x40]  }
0xec: {  	v12 =	vld [tilespmem:s14+$0x50];
	v11 =	vsub.s32 v6, v1  }
0xed: {  	v14 =	vld [tilespmem:s14+$0x60];
	v13 =	vsub.s32 v7, v1;
	vm7 =	vlt.u32 v11, $0x1A000  }
0xee: {  	v16 =	vld [tilespmem:s14+$0x70];
	v15 =	vsub.s32 v8, v1;
	vm5 =	vlt.u32 v13, $0x1A000;
	(xrf1) =	vunique.msk.u32 vm7, v11  }
0xef: {  	v17 =	vsub.s32 v9, v1;
	vm6 =	vlt.u32 v15, $0x1A000;
	(xrf1) =	vunique.msk.u32 vm5, v13  }
0xf0: {  	v18 =	vsub.s32 v10, v1;
	vm4 =	vlt.u32 v17, $0x1A000;
	(xrf1) =	vunique.msk.u32 vm6, v15  }
0xf1: {  	v19 =	vsub.s32 v12, v1;
	vm3 =	vlt.u32 v18, $0x1A000;
	(xrf1) =	vunique.msk.u32 vm4, v17  }
0xf2: {  	v20 =	vsub.s32 v14, v1;
	vm2 =	vlt.u32 v19, $0x1A000;
	(xrf1) =	vunique.msk.u32 vm3, v18  }
0xf3: {  	v21 =	vsub.s32 v16, v1;
	vm1 =	vlt.u32 v20, $0x1A000;
	(xrf1) =	vunique.msk.u32 vm2, v19  }
0xf4: {  	vm0 =	vlt.u32 v21, $0x1A000;
	(xrf1) =	vunique.msk.u32 vm1, v20  }
0xf5: {  	(xrf1) =	vunique.msk.u32 vm0, v21;
	_ =	sdelay $0x4  }
0xf6: {  	v6 =	vand.u32 $0x7F, v6  }
0xf7: {  	v10 =	vand.u32 $0x7F, v10;
	v7 =	vand.u32 $0x7F, v7;
	v8 =	vand.u32 $0x7F, v8  }
0xf8: {  	v9 =	vand.u32 $0x7F, v9;
	v12 =	vand.u32 $0x7F, v12;
	v60 =	vand.u32 $0x7F, v14;
	_, v22, vm8 =	vpop (xrf1)  }
0xf9: {  	v62 =	vand.u32 $0x7F, v16;
	v11 =	vand.u32 $0xFFFFFF80, v11;
	vm7 =	vmand vm7, vm8;
	_, v23, vm13 =	vpop (xrf1)  }
0xfa: {  	v13 =	vand.u32 $0xFFFFFF80, v13;
	v6 =	vor.u32 v6, v11;
	vm5 =	vmand vm5, vm13;
	_, v54, vm14 =	vpop (xrf1)  }
0xfb: {  	v15 =	vand.u32 $0xFFFFFF80, v15;
	v7 =	vor.u32 v7, v13;
	vm6 =	vmand vm6, vm14;
	_, v55, vm15 =	vpop (xrf1)  }
0xfc: {  	v17 =	vand.u32 $0xFFFFFF80, v17;
	v8 =	vor.u32 v8, v15;
	vm4 =	vmand vm4, vm15;
	_, v56, vm12 =	vpop (xrf1)  }
0xfd: {  	v57 =	vand.u32 $0xFFFFFF80, v18;
	v9 =	vor.u32 v9, v17;
	vm3 =	vmand vm3, vm12;
	_, v58, vm13 =	vpop (xrf1)  }
0xfe: {  	v10 =	vor.u32 v10, v57;
	v19 =	vand.u32 $0xFFFFFF80, v19;
	vm2 =	vmand vm2, vm13;
	_, v59, vm14 =	vpop (xrf1)  }
0xff: {  	v20 =	vand.u32 $0xFFFFFF80, v20;
	vm1 =	vmand vm1, vm14;
	[tilespmem:v6+s11+$0x0] =	vst.idx.add.s32.msk vm7, v22;
	v6 =	vor.u32 v12, v19;
	_, v61, vm15 =	vpop (xrf1)  }
0x100: {  	s13 =	sadd.s32 $0x1, s13;
	v21 =	vand.u32 $0xFFFFFF80, v21;
	vm0 =	vmand vm0, vm15;
	[tilespmem:v7+s11+$0x0] =	vst.idx.add.s32.msk vm5, v23;
	v7 =	vor.u32 v60, v20  }
0x101: {  	p0 =	sne.s32 s13, $0x20;
	v63 =	vor.u32 v62, v21;
	[tilespmem:v8+s11+$0x0] =	vst.idx.add.s32.msk vm6, v54  }
.Ltmp5:
0x102: {  	[tilespmem:v9+s11+$0x0] =	vst.idx.add.s32.msk vm4, v55;
	(pc) =	sbr.rel @p0 .LBB2_10-.Ltmp5, $4  }
0x103: {  	[tilespmem:v10+s11+$0x0] =	vst.idx.add.s32.msk vm3, v56  }
0x104: {  	[tilespmem:v6+s11+$0x0] =	vst.idx.add.s32.msk vm2, v58  }
0x105: {  	[tilespmem:v7+s11+$0x0] =	vst.idx.add.s32.msk vm1, v59  }
0x106: {  	[tilespmem:v63+s11+$0x0] =	vst.idx.add.s32.msk vm0, v61  }
0x107: {  	s13 =	simm.s32 $0x0  }
0x108: {  	[hbm4b:s5+s13] =	stream.linear.scatter [tilespmem:s11], [sflag:$0x1], $0x1A000, $0x38;
	[tilespmem:$0x1C000] =	vst v63  }
0x109: {  	_ =	swait.ge [sflag:s10], $0x1A000  }
0x10a: {  	[sflag:s10] =	ssyncset.done $0x0  }
0x10b: {  	s14 =	simm.s32 $0x0;
	s15 =	simm.s32 $0x200;
	[sflag:s10] =	ssyncadd.s32 $0xFFFE6000  }
.LBB2_14:
0x10c: {  	p0 =	sne.s32 s15, $0x67E00;
	[tilespmem:s14+$0x2070] =	vst v5  }
0x10d: {  	[tilespmem:s14+$0x2000] =	vst v5  }
0x10e: {  	[tilespmem:s14+$0x2010] =	vst v5  }
.Ltmp6:
0x10f: {  	[tilespmem:s14+$0x2020] =	vst v5;
	(pc) =	sbr.rel @p0 .LBB2_14-.Ltmp6, $4  }
0x110: {  	[tilespmem:s14+$0x2030] =	vst v5  }
0x111: {  	[tilespmem:s14+$0x2040] =	vst v5  }
0x112: {  	[tilespmem:s14+$0x2050] =	vst v5  }
0x113: {  	[tilespmem:s14+$0x2060] =	vst v5;
	s14 =	sshra.s32 s15, $0x2;
	s15 =	sadd.s32 $0x200, s15  }
0x114: {  	[tilespmem:s14+$0x2070] =	vst v5  }
0x115: {  	[tilespmem:s14+$0x2000] =	vst v5  }
0x116: {  	[tilespmem:s14+$0x2010] =	vst v5  }
0x117: {  	[tilespmem:s14+$0x2020] =	vst v5  }
0x118: {  	[tilespmem:s14+$0x2030] =	vst v5  }
0x119: {  	[tilespmem:s14+$0x2040] =	vst v5  }
0x11a: {  	[tilespmem:s14+$0x2050] =	vst v5  }
0x11b: {  	[tilespmem:s14+$0x2060] =	vst v5  }
.LBB2_16:
0x11c: {  	s14 =	sshll.u32 s13, $0xA  }
0x11d: {  	s15 =	simm.s32 $0x0;
	s14 =	sadd.s32 s3, s14  }
0x11e: {  	[tilespmem:s15], [sflag:$0x1] =	stream.linear.gather [hbm4b:s14+s15], $0x2000, $0x38;
	[tilespmem:$0x1C000] =	vst v63  }
0x11f: {  	_ =	swait.ge [sflag:s10], $0x2000  }
0x120: {  	[sflag:s10] =	ssyncset.done $0x0  }
0x121: {  	s31 =	simm.s32 $0x0;
	[sflag:s10] =	ssyncadd.s32 $0xFFFFE000  }
0x122: {  	v6 =	vld [tilespmem:s31+$0x0]  }
0x123: {  	v7 =	vld [tilespmem:s31+$0x10]  }
0x124: {  	v8 =	vld [tilespmem:s31+$0x20]  }
0x125: {  	v9 =	vld [tilespmem:s31+$0x30]  }
0x126: {  	v10 =	vld [tilespmem:s31+$0x40]  }
0x127: {  	v11 =	vsub.s32 v6, v2  }
0x128: {  	v13 =	vsub.s32 v7, v2;
	vm7 =	vlt.u32 v11, $0x1A000  }
0x129: {  	v15 =	vsub.s32 v8, v2;
	vm6 =	vlt.u32 v13, $0x1A000;
	(xrf1) =	vunique.msk.u32 vm7, v11  }
0x12a: {  	v12 =	vld [tilespmem:s31+$0x50];
	v16 =	vsub.s32 v9, v2;
	vm5 =	vlt.u32 v15, $0x1A000;
	(xrf1) =	vunique.msk.u32 vm6, v13  }
0x12b: {  	v14 =	vld [tilespmem:s31+$0x60];
	v17 =	vsub.s32 v10, v2;
	vm4 =	vlt.u32 v16, $0x1A000;
	(xrf1) =	vunique.msk.u32 vm5, v15  }
0x12c: {  	vm3 =	vlt.u32 v17, $0x1A000;
	(xrf1) =	vunique.msk.u32 vm4, v16  }
0x12d: {  	v20 =	vld [tilespmem:s31+$0x70];
	(xrf1) =	vunique.msk.u32 vm3, v17;
	_ =	sdelay $0x1  }
0x12e: {  	v18 =	vsub.s32 v12, v2  }
0x12f: {  	v19 =	vsub.s32 v14, v2;
	vm1 =	vlt.u32 v18, $0x1A000  }
0x130: {  	vm2 =	vlt.u32 v19, $0x1A000;
	(xrf1) =	vunique.msk.u32 vm1, v18  }
0x131: {  	v21 =	vsub.s32 v20, v2;
	(xrf1) =	vunique.msk.u32 vm2, v19  }
0x132: {  	vm0 =	vlt.u32 v21, $0x1A000  }
0x133: {  	(xrf1) =	vunique.msk.u32 vm0, v21;
	_ =	sdelay $0x1  }
0x134: {  	v6 =	vand.u32 $0x7F, v6  }
0x135: {  	v10 =	vand.u32 $0x7F, v10;
	v7 =	vand.u32 $0x7F, v7;
	v8 =	vand.u32 $0x7F, v8;
	_, v22, vm8 =	vpop (xrf1)  }
0x136: {  	v9 =	vand.u32 $0x7F, v9;
	v11 =	vand.u32 $0xFFFFFF80, v11;
	vm7 =	vmand vm7, vm8;
	_, v23, vm14 =	vpop (xrf1)  }
0x137: {  	v13 =	vand.u32 $0xFFFFFF80, v13;
	v6 =	vor.u32 v6, v11;
	vm6 =	vmand vm6, vm14;
	_, v58, vm15 =	vpop (xrf1)  }
0x138: {  	v15 =	vand.u32 $0xFFFFFF80, v15;
	v7 =	vor.u32 v7, v13;
	vm5 =	vmand vm5, vm15;
	_, v59, vm12 =	vpop (xrf1)  }
0x139: {  	v16 =	vand.u32 $0xFFFFFF80, v16;
	v8 =	vor.u32 v8, v15;
	vm4 =	vmand vm4, vm12;
	_, v60, vm13 =	vpop (xrf1)  }
0x13a: {  	v61 =	vand.u32 $0xFFFFFF80, v17;
	v9 =	vor.u32 v9, v16;
	vm3 =	vmand vm3, vm13  }
0x13b: {  	v10 =	vor.u32 v10, v61  }
0x13c: {  	[tilespmem:v6+s11+$0x0] =	vst.idx.add.s32.msk vm7, v22;
	v6 =	vand.u32 $0x7F, v14  }
0x13d: {  	_, v62, vm14 =	vpop (xrf1);
	[tilespmem:v7+s11+$0x0] =	vst.idx.add.s32.msk vm6, v23  }
0x13e: {  	v12 =	vand.u32 $0x7F, v12;
	v18 =	vand.u32 $0xFFFFFF80, v18;
	vm1 =	vmand vm1, vm14;
	_, v63, vm15 =	vpop (xrf1);
	[tilespmem:v8+s11+$0x0] =	vst.idx.add.s32.msk vm5, v58  }
0x13f: {  	v19 =	vand.u32 $0xFFFFFF80, v19;
	v12 =	vor.u32 v12, v18;
	vm2 =	vmand vm2, vm15;
	[tilespmem:v9+s11+$0x0] =	vst.idx.add.s32.msk vm4, v59  }
0x140: {  	v14 =	vor.u32 v6, v19;
	[tilespmem:v10+s11+$0x0] =	vst.idx.add.s32.msk vm3, v60;
	_, v6, vm3 =	vpop (xrf1)  }
0x141: {  	v7 =	vand.u32 $0xFFFFFF80, v21;
	v8 =	vand.u32 $0x7F, v20;
	vm0 =	vmand vm0, vm3  }
0x142: {  	v7 =	vor.u32 v8, v7;
	_ =	sdelay $0x1  }
0x143: {  	[tilespmem:v12+s11+$0x0] =	vst.idx.add.s32.msk vm1, v62  }
0x144: {  	s14 =	simm.s32 $0x200;
	s15 =	simm.s32 $0x400;
	[tilespmem:v14+s11+$0x0] =	vst.idx.add.s32.msk vm2, v63  }
.LBB2_17:
0x145: {  	p0 =	sne.s32 s15, $0x7E00  }
0x146: {  	s16 =	sshra.s32 s14, $0x2;
	[tilespmem:v7+s11+$0x0] =	vst.idx.add.s32.msk vm0, v6;
	s14 =	smov.u32 s15;
	s15 =	sadd.s32 $0x200, s15  }
0x147: {  	v6 =	vld [tilespmem:s16+$0x0]  }
0x148: {  	v7 =	vld [tilespmem:s16+$0x10]  }
0x149: {  	v8 =	vld [tilespmem:s16+$0x20]  }
0x14a: {  	v9 =	vld [tilespmem:s16+$0x30]  }
0x14b: {  	v10 =	vld [tilespmem:s16+$0x40]  }
0x14c: {  	v11 =	vsub.s32 v6, v2;
	v12 =	vld [tilespmem:s16+$0x50]  }
0x14d: {  	vm1 =	vlt.u32 v11, $0x1A000;
	v13 =	vsub.s32 v7, v2;
	v14 =	vld [tilespmem:s16+$0x60];
	v15 =	vand.u32 $0xFFFFFF80, v11  }
0x14e: {  	vm2 =	vlt.u32 v13, $0x1A000;
	v16 =	vsub.s32 v8, v2;
	v17 =	vld [tilespmem:s16+$0x70];
	v18 =	vand.u32 $0xFFFFFF80, v13;
	(xrf1) =	vunique.msk.u32 vm1, v11  }
0x14f: {  	vm5 =	vlt.u32 v16, $0x1A000;
	v11 =	vsub.s32 v9, v2;
	v19 =	vand.u32 $0xFFFFFF80, v16;
	(xrf1) =	vunique.msk.u32 vm2, v13  }
0x150: {  	vm6 =	vlt.u32 v11, $0x1A000;
	v13 =	vsub.s32 v10, v2;
	v20 =	vand.u32 $0xFFFFFF80, v11;
	(xrf1) =	vunique.msk.u32 vm5, v16  }
0x151: {  	vm7 =	vlt.u32 v13, $0x1A000;
	v16 =	vsub.s32 v12, v2;
	(xrf1) =	vunique.msk.u32 vm6, v11  }
0x152: {  	vm3 =	vlt.u32 v16, $0x1A000;
	v11 =	vsub.s32 v14, v2;
	v21 =	vand.u32 $0xFFFFFF80, v16;
	(xrf1) =	vunique.msk.u32 vm7, v13  }
0x153: {  	vm4 =	vlt.u32 v11, $0x1A000;
	v22 =	vsub.s32 v17, v2;
	v23 =	vand.u32 $0xFFFFFF80, v11;
	(xrf1) =	vunique.msk.u32 vm3, v16  }
0x154: {  	vm0 =	vlt.u32 v22, $0x1A000;
	v16 =	vand.u32 $0xFFFFFF80, v22;
	(xrf1) =	vunique.msk.u32 vm4, v11  }
0x155: {  	(xrf1) =	vunique.msk.u32 vm0, v22;
	_ =	sdelay $0x6  }
0x156: {  	_, v11, vm8 =	vpop (xrf1)  }
0x157: {  	v6 =	vand.u32 $0x7F, v6;
	v10 =	vand.u32 $0x7F, v10;
	vm1 =	vmand vm1, vm8;
	_, v22, vm8 =	vpop (xrf1)  }
0x158: {  	v7 =	vand.u32 $0x7F, v7;
	v6 =	vor.u32 v6, v15;
	vm2 =	vmand vm2, vm8;
	_, v15, vm8 =	vpop (xrf1)  }
0x159: {  	v8 =	vand.u32 $0x7F, v8;
	v7 =	vor.u32 v7, v18;
	vm5 =	vmand vm5, vm8;
	_, v18, vm8 =	vpop (xrf1)  }
0x15a: {  	v9 =	vand.u32 $0x7F, v9;
	v8 =	vor.u32 v8, v19;
	vm6 =	vmand vm6, vm8;
	_, v19, vm8 =	vpop (xrf1)  }
0x15b: {  	v9 =	vor.u32 v9, v20;
	v24 =	vand.u32 $0xFFFFFF80, v13;
	vm7 =	vmand vm7, vm8;
	_, v20, vm8 =	vpop (xrf1)  }
0x15c: {  	v12 =	vand.u32 $0x7F, v12;
	v10 =	vor.u32 v10, v24;
	vm3 =	vmand vm3, vm8;
	_, v13, vm8 =	vpop (xrf1)  }
0x15d: {  	vm4 =	vmand vm4, vm8;
	[tilespmem:v6+s11+$0x0] =	vst.idx.add.s32.msk vm1, v11;
	v11 =	vor.u32 v12, v21;
	v12 =	vand.u32 $0x7F, v14;
	_, v6, vm1 =	vpop (xrf1)  }
0x15e: {  	vm0 =	vmand vm0, vm1;
	[tilespmem:v7+s11+$0x0] =	vst.idx.add.s32.msk vm2, v22;
	v12 =	vor.u32 v12, v23;
	v7 =	vand.u32 $0x7F, v17  }
.Ltmp7:
0x15f: {  	[tilespmem:v8+s11+$0x0] =	vst.idx.add.s32.msk vm5, v15;
	v7 =	vor.u32 v7, v16;
	(pc) =	sbr.rel @p0 .LBB2_17-.Ltmp7, $4  }
0x160: {  	[tilespmem:v9+s11+$0x0] =	vst.idx.add.s32.msk vm6, v18  }
0x161: {  	[tilespmem:v10+s11+$0x0] =	vst.idx.add.s32.msk vm7, v19  }
0x162: {  	[tilespmem:v11+s11+$0x0] =	vst.idx.add.s32.msk vm3, v20  }
0x163: {  	[tilespmem:v12+s11+$0x0] =	vst.idx.add.s32.msk vm4, v13  }
0x164: {  	_ =	sdelay $0x4  }
0x165: {  	s14 =	sshra.s32 s14, $0x2;
	[tilespmem:v7+s11+$0x0] =	vst.idx.add.s32.msk vm0, v6  }
0x166: {  	v6 =	vld [tilespmem:s14+$0x0]  }
0x167: {  	v7 =	vld [tilespmem:s14+$0x10]  }
0x168: {  	v8 =	vld [tilespmem:s14+$0x20]  }
0x169: {  	v9 =	vld [tilespmem:s14+$0x30]  }
0x16a: {  	v10 =	vld [tilespmem:s14+$0x40]  }
0x16b: {  	v12 =	vld [tilespmem:s14+$0x50];
	v11 =	vsub.s32 v6, v2  }
0x16c: {  	v14 =	vld [tilespmem:s14+$0x60];
	v13 =	vsub.s32 v7, v2;
	vm7 =	vlt.u32 v11, $0x1A000  }
0x16d: {  	v16 =	vld [tilespmem:s14+$0x70];
	v15 =	vsub.s32 v8, v2;
	vm5 =	vlt.u32 v13, $0x1A000;
	(xrf1) =	vunique.msk.u32 vm7, v11  }
0x16e: {  	v17 =	vsub.s32 v9, v2;
	vm6 =	vlt.u32 v15, $0x1A000;
	(xrf1) =	vunique.msk.u32 vm5, v13  }
0x16f: {  	v18 =	vsub.s32 v10, v2;
	vm4 =	vlt.u32 v17, $0x1A000;
	(xrf1) =	vunique.msk.u32 vm6, v15  }
0x170: {  	v19 =	vsub.s32 v12, v2;
	vm3 =	vlt.u32 v18, $0x1A000;
	(xrf1) =	vunique.msk.u32 vm4, v17  }
0x171: {  	v20 =	vsub.s32 v14, v2;
	vm2 =	vlt.u32 v19, $0x1A000;
	(xrf1) =	vunique.msk.u32 vm3, v18  }
0x172: {  	v21 =	vsub.s32 v16, v2;
	vm1 =	vlt.u32 v20, $0x1A000;
	(xrf1) =	vunique.msk.u32 vm2, v19  }
0x173: {  	vm0 =	vlt.u32 v21, $0x1A000;
	(xrf1) =	vunique.msk.u32 vm1, v20  }
0x174: {  	(xrf1) =	vunique.msk.u32 vm0, v21;
	_ =	sdelay $0x4  }
0x175: {  	v6 =	vand.u32 $0x7F, v6  }
0x176: {  	v10 =	vand.u32 $0x7F, v10;
	v7 =	vand.u32 $0x7F, v7;
	v8 =	vand.u32 $0x7F, v8  }
0x177: {  	v9 =	vand.u32 $0x7F, v9;
	v12 =	vand.u32 $0x7F, v12;
	v60 =	vand.u32 $0x7F, v14;
	_, v22, vm8 =	vpop (xrf1)  }
0x178: {  	v62 =	vand.u32 $0x7F, v16;
	v11 =	vand.u32 $0xFFFFFF80, v11;
	vm7 =	vmand vm7, vm8;
	_, v23, vm13 =	vpop (xrf1)  }
0x179: {  	v13 =	vand.u32 $0xFFFFFF80, v13;
	v6 =	vor.u32 v6, v11;
	vm5 =	vmand vm5, vm13;
	_, v54, vm14 =	vpop (xrf1)  }
0x17a: {  	v15 =	vand.u32 $0xFFFFFF80, v15;
	v7 =	vor.u32 v7, v13;
	vm6 =	vmand vm6, vm14;
	_, v55, vm15 =	vpop (xrf1)  }
0x17b: {  	v17 =	vand.u32 $0xFFFFFF80, v17;
	v8 =	vor.u32 v8, v15;
	vm4 =	vmand vm4, vm15;
	_, v56, vm12 =	vpop (xrf1)  }
0x17c: {  	v57 =	vand.u32 $0xFFFFFF80, v18;
	v9 =	vor.u32 v9, v17;
	vm3 =	vmand vm3, vm12;
	_, v58, vm13 =	vpop (xrf1)  }
0x17d: {  	v10 =	vor.u32 v10, v57;
	v19 =	vand.u32 $0xFFFFFF80, v19;
	vm2 =	vmand vm2, vm13;
	_, v59, vm14 =	vpop (xrf1)  }
0x17e: {  	v20 =	vand.u32 $0xFFFFFF80, v20;
	vm1 =	vmand vm1, vm14;
	[tilespmem:v6+s11+$0x0] =	vst.idx.add.s32.msk vm7, v22;
	v6 =	vor.u32 v12, v19;
	_, v61, vm15 =	vpop (xrf1)  }
0x17f: {  	s13 =	sadd.s32 $0x1, s13;
	v21 =	vand.u32 $0xFFFFFF80, v21;
	vm0 =	vmand vm0, vm15;
	[tilespmem:v7+s11+$0x0] =	vst.idx.add.s32.msk vm5, v23;
	v7 =	vor.u32 v60, v20  }
0x180: {  	p0 =	sne.s32 s13, $0x20;
	v63 =	vor.u32 v62, v21;
	[tilespmem:v8+s11+$0x0] =	vst.idx.add.s32.msk vm6, v54  }
.Ltmp8:
0x181: {  	[tilespmem:v9+s11+$0x0] =	vst.idx.add.s32.msk vm4, v55;
	(pc) =	sbr.rel @p0 .LBB2_16-.Ltmp8, $4  }
0x182: {  	[tilespmem:v10+s11+$0x0] =	vst.idx.add.s32.msk vm3, v56  }
0x183: {  	[tilespmem:v6+s11+$0x0] =	vst.idx.add.s32.msk vm2, v58  }
0x184: {  	[tilespmem:v7+s11+$0x0] =	vst.idx.add.s32.msk vm1, v59  }
0x185: {  	[tilespmem:v63+s11+$0x0] =	vst.idx.add.s32.msk vm0, v61  }
0x186: {  	s13 =	simm.s32 $0x0  }
0x187: {  	[hbm4b:s6+s13] =	stream.linear.scatter [tilespmem:s11], [sflag:$0x1], $0x1A000, $0x38;
	[tilespmem:$0x1C000] =	vst v63  }
0x188: {  	_ =	swait.ge [sflag:s10], $0x1A000  }
0x189: {  	[sflag:s10] =	ssyncset.done $0x0  }
0x18a: {  	s14 =	simm.s32 $0x0;
	s15 =	simm.s32 $0x200;
	[sflag:s10] =	ssyncadd.s32 $0xFFFE6000  }
.LBB2_20:
0x18b: {  	p0 =	sne.s32 s15, $0x67E00;
	[tilespmem:s14+$0x2070] =	vst v5  }
0x18c: {  	[tilespmem:s14+$0x2000] =	vst v5  }
0x18d: {  	[tilespmem:s14+$0x2010] =	vst v5  }
.Ltmp9:
0x18e: {  	[tilespmem:s14+$0x2020] =	vst v5;
	(pc) =	sbr.rel @p0 .LBB2_20-.Ltmp9, $4  }
0x18f: {  	[tilespmem:s14+$0x2030] =	vst v5  }
0x190: {  	[tilespmem:s14+$0x2040] =	vst v5  }
0x191: {  	[tilespmem:s14+$0x2050] =	vst v5  }
0x192: {  	[tilespmem:s14+$0x2060] =	vst v5;
	s14 =	sshra.s32 s15, $0x2;
	s15 =	sadd.s32 $0x200, s15  }
0x193: {  	[tilespmem:s14+$0x2070] =	vst v5  }
0x194: {  	[tilespmem:s14+$0x2000] =	vst v5  }
0x195: {  	[tilespmem:s14+$0x2010] =	vst v5  }
0x196: {  	[tilespmem:s14+$0x2020] =	vst v5  }
0x197: {  	[tilespmem:s14+$0x2030] =	vst v5  }
0x198: {  	[tilespmem:s14+$0x2040] =	vst v5  }
0x199: {  	[tilespmem:s14+$0x2050] =	vst v5  }
0x19a: {  	[tilespmem:s14+$0x2060] =	vst v5  }
.LBB2_22:
0x19b: {  	s14 =	sshll.u32 s13, $0xA  }
0x19c: {  	s15 =	simm.s32 $0x0;
	s14 =	sadd.s32 s3, s14  }
0x19d: {  	[tilespmem:s15], [sflag:$0x1] =	stream.linear.gather [hbm4b:s14+s15], $0x2000, $0x38;
	[tilespmem:$0x1C000] =	vst v63  }
0x19e: {  	_ =	swait.ge [sflag:s10], $0x2000  }
0x19f: {  	[sflag:s10] =	ssyncset.done $0x0  }
0x1a0: {  	s31 =	simm.s32 $0x0;
	[sflag:s10] =	ssyncadd.s32 $0xFFFFE000  }
0x1a1: {  	v6 =	vld [tilespmem:s31+$0x0]  }
0x1a2: {  	v7 =	vld [tilespmem:s31+$0x10]  }
0x1a3: {  	v8 =	vld [tilespmem:s31+$0x20]  }
0x1a4: {  	v9 =	vld [tilespmem:s31+$0x30]  }
0x1a5: {  	v10 =	vld [tilespmem:s31+$0x40]  }
0x1a6: {  	v11 =	vsub.s32 v6, v3  }
0x1a7: {  	v13 =	vsub.s32 v7, v3;
	vm7 =	vlt.u32 v11, $0x1A000  }
0x1a8: {  	v15 =	vsub.s32 v8, v3;
	vm6 =	vlt.u32 v13, $0x1A000;
	(xrf1) =	vunique.msk.u32 vm7, v11  }
0x1a9: {  	v12 =	vld [tilespmem:s31+$0x50];
	v16 =	vsub.s32 v9, v3;
	vm5 =	vlt.u32 v15, $0x1A000;
	(xrf1) =	vunique.msk.u32 vm6, v13  }
0x1aa: {  	v14 =	vld [tilespmem:s31+$0x60];
	v17 =	vsub.s32 v10, v3;
	vm4 =	vlt.u32 v16, $0x1A000;
	(xrf1) =	vunique.msk.u32 vm5, v15  }
0x1ab: {  	vm3 =	vlt.u32 v17, $0x1A000;
	(xrf1) =	vunique.msk.u32 vm4, v16  }
0x1ac: {  	v20 =	vld [tilespmem:s31+$0x70];
	(xrf1) =	vunique.msk.u32 vm3, v17;
	_ =	sdelay $0x1  }
0x1ad: {  	v18 =	vsub.s32 v12, v3  }
0x1ae: {  	v19 =	vsub.s32 v14, v3;
	vm1 =	vlt.u32 v18, $0x1A000  }
0x1af: {  	vm2 =	vlt.u32 v19, $0x1A000;
	(xrf1) =	vunique.msk.u32 vm1, v18  }
0x1b0: {  	v21 =	vsub.s32 v20, v3;
	(xrf1) =	vunique.msk.u32 vm2, v19  }
0x1b1: {  	vm0 =	vlt.u32 v21, $0x1A000  }
0x1b2: {  	(xrf1) =	vunique.msk.u32 vm0, v21;
	_ =	sdelay $0x1  }
0x1b3: {  	v6 =	vand.u32 $0x7F, v6  }
0x1b4: {  	v10 =	vand.u32 $0x7F, v10;
	v7 =	vand.u32 $0x7F, v7;
	v8 =	vand.u32 $0x7F, v8;
	_, v22, vm8 =	vpop (xrf1)  }
0x1b5: {  	v9 =	vand.u32 $0x7F, v9;
	v11 =	vand.u32 $0xFFFFFF80, v11;
	vm7 =	vmand vm7, vm8;
	_, v23, vm14 =	vpop (xrf1)  }
0x1b6: {  	v13 =	vand.u32 $0xFFFFFF80, v13;
	v6 =	vor.u32 v6, v11;
	vm6 =	vmand vm6, vm14;
	_, v58, vm15 =	vpop (xrf1)  }
0x1b7: {  	v15 =	vand.u32 $0xFFFFFF80, v15;
	v7 =	vor.u32 v7, v13;
	vm5 =	vmand vm5, vm15;
	_, v59, vm12 =	vpop (xrf1)  }
0x1b8: {  	v16 =	vand.u32 $0xFFFFFF80, v16;
	v8 =	vor.u32 v8, v15;
	vm4 =	vmand vm4, vm12;
	_, v60, vm13 =	vpop (xrf1)  }
0x1b9: {  	v61 =	vand.u32 $0xFFFFFF80, v17;
	v9 =	vor.u32 v9, v16;
	vm3 =	vmand vm3, vm13  }
0x1ba: {  	v10 =	vor.u32 v10, v61  }
0x1bb: {  	[tilespmem:v6+s11+$0x0] =	vst.idx.add.s32.msk vm7, v22;
	v6 =	vand.u32 $0x7F, v14  }
0x1bc: {  	_, v62, vm14 =	vpop (xrf1);
	[tilespmem:v7+s11+$0x0] =	vst.idx.add.s32.msk vm6, v23  }
0x1bd: {  	v12 =	vand.u32 $0x7F, v12;
	v18 =	vand.u32 $0xFFFFFF80, v18;
	vm1 =	vmand vm1, vm14;
	_, v63, vm15 =	vpop (xrf1);
	[tilespmem:v8+s11+$0x0] =	vst.idx.add.s32.msk vm5, v58  }
0x1be: {  	v19 =	vand.u32 $0xFFFFFF80, v19;
	v12 =	vor.u32 v12, v18;
	vm2 =	vmand vm2, vm15;
	[tilespmem:v9+s11+$0x0] =	vst.idx.add.s32.msk vm4, v59  }
0x1bf: {  	v14 =	vor.u32 v6, v19;
	[tilespmem:v10+s11+$0x0] =	vst.idx.add.s32.msk vm3, v60;
	_, v6, vm3 =	vpop (xrf1)  }
0x1c0: {  	v7 =	vand.u32 $0xFFFFFF80, v21;
	v8 =	vand.u32 $0x7F, v20;
	vm0 =	vmand vm0, vm3  }
0x1c1: {  	v7 =	vor.u32 v8, v7;
	_ =	sdelay $0x1  }
0x1c2: {  	[tilespmem:v12+s11+$0x0] =	vst.idx.add.s32.msk vm1, v62  }
0x1c3: {  	s14 =	simm.s32 $0x200;
	s15 =	simm.s32 $0x400;
	[tilespmem:v14+s11+$0x0] =	vst.idx.add.s32.msk vm2, v63  }
.LBB2_23:
0x1c4: {  	p0 =	sne.s32 s15, $0x7E00  }
0x1c5: {  	s16 =	sshra.s32 s14, $0x2;
	[tilespmem:v7+s11+$0x0] =	vst.idx.add.s32.msk vm0, v6;
	s14 =	smov.u32 s15;
	s15 =	sadd.s32 $0x200, s15  }
0x1c6: {  	v6 =	vld [tilespmem:s16+$0x0]  }
0x1c7: {  	v7 =	vld [tilespmem:s16+$0x10]  }
0x1c8: {  	v8 =	vld [tilespmem:s16+$0x20]  }
0x1c9: {  	v9 =	vld [tilespmem:s16+$0x30]  }
0x1ca: {  	v10 =	vld [tilespmem:s16+$0x40]  }
0x1cb: {  	v11 =	vsub.s32 v6, v3;
	v12 =	vld [tilespmem:s16+$0x50]  }
0x1cc: {  	vm1 =	vlt.u32 v11, $0x1A000;
	v13 =	vsub.s32 v7, v3;
	v14 =	vld [tilespmem:s16+$0x60];
	v15 =	vand.u32 $0xFFFFFF80, v11  }
0x1cd: {  	vm2 =	vlt.u32 v13, $0x1A000;
	v16 =	vsub.s32 v8, v3;
	v17 =	vld [tilespmem:s16+$0x70];
	v18 =	vand.u32 $0xFFFFFF80, v13;
	(xrf1) =	vunique.msk.u32 vm1, v11  }
0x1ce: {  	vm5 =	vlt.u32 v16, $0x1A000;
	v11 =	vsub.s32 v9, v3;
	v19 =	vand.u32 $0xFFFFFF80, v16;
	(xrf1) =	vunique.msk.u32 vm2, v13  }
0x1cf: {  	vm6 =	vlt.u32 v11, $0x1A000;
	v13 =	vsub.s32 v10, v3;
	v20 =	vand.u32 $0xFFFFFF80, v11;
	(xrf1) =	vunique.msk.u32 vm5, v16  }
0x1d0: {  	vm7 =	vlt.u32 v13, $0x1A000;
	v16 =	vsub.s32 v12, v3;
	(xrf1) =	vunique.msk.u32 vm6, v11  }
0x1d1: {  	vm3 =	vlt.u32 v16, $0x1A000;
	v11 =	vsub.s32 v14, v3;
	v21 =	vand.u32 $0xFFFFFF80, v16;
	(xrf1) =	vunique.msk.u32 vm7, v13  }
0x1d2: {  	vm4 =	vlt.u32 v11, $0x1A000;
	v22 =	vsub.s32 v17, v3;
	v23 =	vand.u32 $0xFFFFFF80, v11;
	(xrf1) =	vunique.msk.u32 vm3, v16  }
0x1d3: {  	vm0 =	vlt.u32 v22, $0x1A000;
	v16 =	vand.u32 $0xFFFFFF80, v22;
	(xrf1) =	vunique.msk.u32 vm4, v11  }
0x1d4: {  	(xrf1) =	vunique.msk.u32 vm0, v22;
	_ =	sdelay $0x6  }
0x1d5: {  	_, v11, vm8 =	vpop (xrf1)  }
0x1d6: {  	v6 =	vand.u32 $0x7F, v6;
	v10 =	vand.u32 $0x7F, v10;
	vm1 =	vmand vm1, vm8;
	_, v22, vm8 =	vpop (xrf1)  }
0x1d7: {  	v7 =	vand.u32 $0x7F, v7;
	v6 =	vor.u32 v6, v15;
	vm2 =	vmand vm2, vm8;
	_, v15, vm8 =	vpop (xrf1)  }
0x1d8: {  	v8 =	vand.u32 $0x7F, v8;
	v7 =	vor.u32 v7, v18;
	vm5 =	vmand vm5, vm8;
	_, v18, vm8 =	vpop (xrf1)  }
0x1d9: {  	v9 =	vand.u32 $0x7F, v9;
	v8 =	vor.u32 v8, v19;
	vm6 =	vmand vm6, vm8;
	_, v19, vm8 =	vpop (xrf1)  }
0x1da: {  	v9 =	vor.u32 v9, v20;
	v24 =	vand.u32 $0xFFFFFF80, v13;
	vm7 =	vmand vm7, vm8;
	_, v20, vm8 =	vpop (xrf1)  }
0x1db: {  	v12 =	vand.u32 $0x7F, v12;
	v10 =	vor.u32 v10, v24;
	vm3 =	vmand vm3, vm8;
	_, v13, vm8 =	vpop (xrf1)  }
0x1dc: {  	vm4 =	vmand vm4, vm8;
	[tilespmem:v6+s11+$0x0] =	vst.idx.add.s32.msk vm1, v11;
	v11 =	vor.u32 v12, v21;
	v12 =	vand.u32 $0x7F, v14;
	_, v6, vm1 =	vpop (xrf1)  }
0x1dd: {  	vm0 =	vmand vm0, vm1;
	[tilespmem:v7+s11+$0x0] =	vst.idx.add.s32.msk vm2, v22;
	v12 =	vor.u32 v12, v23;
	v7 =	vand.u32 $0x7F, v17  }
.Ltmp10:
0x1de: {  	[tilespmem:v8+s11+$0x0] =	vst.idx.add.s32.msk vm5, v15;
	v7 =	vor.u32 v7, v16;
	(pc) =	sbr.rel @p0 .LBB2_23-.Ltmp10, $4  }
0x1df: {  	[tilespmem:v9+s11+$0x0] =	vst.idx.add.s32.msk vm6, v18  }
0x1e0: {  	[tilespmem:v10+s11+$0x0] =	vst.idx.add.s32.msk vm7, v19  }
0x1e1: {  	[tilespmem:v11+s11+$0x0] =	vst.idx.add.s32.msk vm3, v20  }
0x1e2: {  	[tilespmem:v12+s11+$0x0] =	vst.idx.add.s32.msk vm4, v13  }
0x1e3: {  	_ =	sdelay $0x4  }
0x1e4: {  	s14 =	sshra.s32 s14, $0x2;
	[tilespmem:v7+s11+$0x0] =	vst.idx.add.s32.msk vm0, v6  }
0x1e5: {  	v6 =	vld [tilespmem:s14+$0x0]  }
0x1e6: {  	v7 =	vld [tilespmem:s14+$0x10]  }
0x1e7: {  	v8 =	vld [tilespmem:s14+$0x20]  }
0x1e8: {  	v9 =	vld [tilespmem:s14+$0x30]  }
0x1e9: {  	v10 =	vld [tilespmem:s14+$0x40]  }
0x1ea: {  	v12 =	vld [tilespmem:s14+$0x50];
	v11 =	vsub.s32 v6, v3  }
0x1eb: {  	v14 =	vld [tilespmem:s14+$0x60];
	v13 =	vsub.s32 v7, v3;
	vm7 =	vlt.u32 v11, $0x1A000  }
0x1ec: {  	v16 =	vld [tilespmem:s14+$0x70];
	v15 =	vsub.s32 v8, v3;
	vm5 =	vlt.u32 v13, $0x1A000;
	(xrf1) =	vunique.msk.u32 vm7, v11  }
0x1ed: {  	v17 =	vsub.s32 v9, v3;
	vm6 =	vlt.u32 v15, $0x1A000;
	(xrf1) =	vunique.msk.u32 vm5, v13  }
0x1ee: {  	v18 =	vsub.s32 v10, v3;
	vm4 =	vlt.u32 v17, $0x1A000;
	(xrf1) =	vunique.msk.u32 vm6, v15  }
0x1ef: {  	v19 =	vsub.s32 v12, v3;
	vm3 =	vlt.u32 v18, $0x1A000;
	(xrf1) =	vunique.msk.u32 vm4, v17  }
0x1f0: {  	v20 =	vsub.s32 v14, v3;
	vm2 =	vlt.u32 v19, $0x1A000;
	(xrf1) =	vunique.msk.u32 vm3, v18  }
0x1f1: {  	v21 =	vsub.s32 v16, v3;
	vm1 =	vlt.u32 v20, $0x1A000;
	(xrf1) =	vunique.msk.u32 vm2, v19  }
0x1f2: {  	vm0 =	vlt.u32 v21, $0x1A000;
	(xrf1) =	vunique.msk.u32 vm1, v20  }
0x1f3: {  	(xrf1) =	vunique.msk.u32 vm0, v21;
	_ =	sdelay $0x4  }
0x1f4: {  	v6 =	vand.u32 $0x7F, v6  }
0x1f5: {  	v10 =	vand.u32 $0x7F, v10;
	v7 =	vand.u32 $0x7F, v7;
	v8 =	vand.u32 $0x7F, v8  }
0x1f6: {  	v9 =	vand.u32 $0x7F, v9;
	v12 =	vand.u32 $0x7F, v12;
	v60 =	vand.u32 $0x7F, v14;
	_, v22, vm8 =	vpop (xrf1)  }
0x1f7: {  	v62 =	vand.u32 $0x7F, v16;
	v11 =	vand.u32 $0xFFFFFF80, v11;
	vm7 =	vmand vm7, vm8;
	_, v23, vm13 =	vpop (xrf1)  }
0x1f8: {  	v13 =	vand.u32 $0xFFFFFF80, v13;
	v6 =	vor.u32 v6, v11;
	vm5 =	vmand vm5, vm13;
	_, v54, vm14 =	vpop (xrf1)  }
0x1f9: {  	v15 =	vand.u32 $0xFFFFFF80, v15;
	v7 =	vor.u32 v7, v13;
	vm6 =	vmand vm6, vm14;
	_, v55, vm15 =	vpop (xrf1)  }
0x1fa: {  	v17 =	vand.u32 $0xFFFFFF80, v17;
	v8 =	vor.u32 v8, v15;
	vm4 =	vmand vm4, vm15;
	_, v56, vm12 =	vpop (xrf1)  }
0x1fb: {  	v57 =	vand.u32 $0xFFFFFF80, v18;
	v9 =	vor.u32 v9, v17;
	vm3 =	vmand vm3, vm12;
	_, v58, vm13 =	vpop (xrf1)  }
0x1fc: {  	v10 =	vor.u32 v10, v57;
	v19 =	vand.u32 $0xFFFFFF80, v19;
	vm2 =	vmand vm2, vm13;
	_, v59, vm14 =	vpop (xrf1)  }
0x1fd: {  	v20 =	vand.u32 $0xFFFFFF80, v20;
	vm1 =	vmand vm1, vm14;
	[tilespmem:v6+s11+$0x0] =	vst.idx.add.s32.msk vm7, v22;
	v6 =	vor.u32 v12, v19;
	_, v61, vm15 =	vpop (xrf1)  }
0x1fe: {  	s13 =	sadd.s32 $0x1, s13;
	v21 =	vand.u32 $0xFFFFFF80, v21;
	vm0 =	vmand vm0, vm15;
	[tilespmem:v7+s11+$0x0] =	vst.idx.add.s32.msk vm5, v23;
	v7 =	vor.u32 v60, v20  }
0x1ff: {  	p0 =	sne.s32 s13, $0x20;
	v63 =	vor.u32 v62, v21;
	[tilespmem:v8+s11+$0x0] =	vst.idx.add.s32.msk vm6, v54  }
.Ltmp11:
0x200: {  	[tilespmem:v9+s11+$0x0] =	vst.idx.add.s32.msk vm4, v55;
	(pc) =	sbr.rel @p0 .LBB2_22-.Ltmp11, $4  }
0x201: {  	[tilespmem:v10+s11+$0x0] =	vst.idx.add.s32.msk vm3, v56  }
0x202: {  	[tilespmem:v6+s11+$0x0] =	vst.idx.add.s32.msk vm2, v58  }
0x203: {  	[tilespmem:v7+s11+$0x0] =	vst.idx.add.s32.msk vm1, v59  }
0x204: {  	[tilespmem:v63+s11+$0x0] =	vst.idx.add.s32.msk vm0, v61  }
0x205: {  	s13 =	simm.s32 $0x0  }
0x206: {  	[hbm4b:s7+s13] =	stream.linear.scatter [tilespmem:s11], [sflag:$0x1], $0x1A000, $0x38;
	[tilespmem:$0x1C000] =	vst v63  }
0x207: {  	_ =	swait.ge [sflag:s10], $0x1A000  }
0x208: {  	[sflag:s10] =	ssyncset.done $0x0  }
0x209: {  	s14 =	simm.s32 $0x0;
	s15 =	simm.s32 $0x200;
	[sflag:s10] =	ssyncadd.s32 $0xFFFE6000  }
.LBB2_26:
0x20a: {  	p0 =	sne.s32 s15, $0x67E00;
	[tilespmem:s14+$0x2070] =	vst v5  }
0x20b: {  	[tilespmem:s14+$0x2000] =	vst v5  }
0x20c: {  	[tilespmem:s14+$0x2010] =	vst v5  }
.Ltmp12:
0x20d: {  	[tilespmem:s14+$0x2020] =	vst v5;
	(pc) =	sbr.rel @p0 .LBB2_26-.Ltmp12, $4  }
0x20e: {  	[tilespmem:s14+$0x2030] =	vst v5  }
0x20f: {  	[tilespmem:s14+$0x2040] =	vst v5  }
0x210: {  	[tilespmem:s14+$0x2050] =	vst v5  }
0x211: {  	[tilespmem:s14+$0x2060] =	vst v5;
	s14 =	sshra.s32 s15, $0x2;
	s15 =	sadd.s32 $0x200, s15  }
0x212: {  	[tilespmem:s14+$0x2070] =	vst v5  }
0x213: {  	[tilespmem:s14+$0x2000] =	vst v5  }
0x214: {  	[tilespmem:s14+$0x2010] =	vst v5  }
0x215: {  	[tilespmem:s14+$0x2020] =	vst v5  }
0x216: {  	[tilespmem:s14+$0x2030] =	vst v5  }
0x217: {  	[tilespmem:s14+$0x2040] =	vst v5  }
0x218: {  	[tilespmem:s14+$0x2050] =	vst v5  }
0x219: {  	[tilespmem:s14+$0x2060] =	vst v5  }
.LBB2_28:
0x21a: {  	s14 =	sshll.u32 s13, $0xA  }
0x21b: {  	s15 =	simm.s32 $0x0;
	s14 =	sadd.s32 s3, s14  }
0x21c: {  	[tilespmem:s15], [sflag:$0x1] =	stream.linear.gather [hbm4b:s14+s15], $0x2000, $0x38;
	[tilespmem:$0x1C000] =	vst v63  }
0x21d: {  	_ =	swait.ge [sflag:s10], $0x2000  }
0x21e: {  	[sflag:s10] =	ssyncset.done $0x0  }
0x21f: {  	s31 =	simm.s32 $0x0;
	[sflag:s10] =	ssyncadd.s32 $0xFFFFE000  }
0x220: {  	v6 =	vld [tilespmem:s31+$0x0]  }
0x221: {  	v7 =	vld [tilespmem:s31+$0x10]  }
0x222: {  	v8 =	vld [tilespmem:s31+$0x20]  }
0x223: {  	v9 =	vld [tilespmem:s31+$0x30]  }
0x224: {  	v10 =	vld [tilespmem:s31+$0x40]  }
0x225: {  	v11 =	vsub.s32 v6, v4  }
0x226: {  	v13 =	vsub.s32 v7, v4;
	vm7 =	vlt.u32 v11, $0x1A000  }
0x227: {  	v15 =	vsub.s32 v8, v4;
	vm6 =	vlt.u32 v13, $0x1A000;
	(xrf1) =	vunique.msk.u32 vm7, v11  }
0x228: {  	v12 =	vld [tilespmem:s31+$0x50];
	v16 =	vsub.s32 v9, v4;
	vm5 =	vlt.u32 v15, $0x1A000;
	(xrf1) =	vunique.msk.u32 vm6, v13  }
0x229: {  	v14 =	vld [tilespmem:s31+$0x60];
	v17 =	vsub.s32 v10, v4;
	vm4 =	vlt.u32 v16, $0x1A000;
	(xrf1) =	vunique.msk.u32 vm5, v15  }
0x22a: {  	vm3 =	vlt.u32 v17, $0x1A000;
	(xrf1) =	vunique.msk.u32 vm4, v16  }
0x22b: {  	v20 =	vld [tilespmem:s31+$0x70];
	(xrf1) =	vunique.msk.u32 vm3, v17;
	_ =	sdelay $0x1  }
0x22c: {  	v18 =	vsub.s32 v12, v4  }
0x22d: {  	v19 =	vsub.s32 v14, v4;
	vm1 =	vlt.u32 v18, $0x1A000  }
0x22e: {  	vm2 =	vlt.u32 v19, $0x1A000;
	(xrf1) =	vunique.msk.u32 vm1, v18  }
0x22f: {  	v21 =	vsub.s32 v20, v4;
	(xrf1) =	vunique.msk.u32 vm2, v19  }
0x230: {  	vm0 =	vlt.u32 v21, $0x1A000  }
0x231: {  	(xrf1) =	vunique.msk.u32 vm0, v21;
	_ =	sdelay $0x1  }
0x232: {  	v6 =	vand.u32 $0x7F, v6  }
0x233: {  	v10 =	vand.u32 $0x7F, v10;
	v7 =	vand.u32 $0x7F, v7;
	v8 =	vand.u32 $0x7F, v8;
	_, v22, vm8 =	vpop (xrf1)  }
0x234: {  	v9 =	vand.u32 $0x7F, v9;
	v11 =	vand.u32 $0xFFFFFF80, v11;
	vm7 =	vmand vm7, vm8;
	_, v23, vm14 =	vpop (xrf1)  }
0x235: {  	v13 =	vand.u32 $0xFFFFFF80, v13;
	v6 =	vor.u32 v6, v11;
	vm6 =	vmand vm6, vm14;
	_, v58, vm15 =	vpop (xrf1)  }
0x236: {  	v15 =	vand.u32 $0xFFFFFF80, v15;
	v7 =	vor.u32 v7, v13;
	vm5 =	vmand vm5, vm15;
	_, v59, vm12 =	vpop (xrf1)  }
0x237: {  	v16 =	vand.u32 $0xFFFFFF80, v16;
	v8 =	vor.u32 v8, v15;
	vm4 =	vmand vm4, vm12;
	_, v60, vm13 =	vpop (xrf1)  }
0x238: {  	v61 =	vand.u32 $0xFFFFFF80, v17;
	v9 =	vor.u32 v9, v16;
	vm3 =	vmand vm3, vm13  }
0x239: {  	v10 =	vor.u32 v10, v61  }
0x23a: {  	[tilespmem:v6+s11+$0x0] =	vst.idx.add.s32.msk vm7, v22;
	v6 =	vand.u32 $0x7F, v14  }
0x23b: {  	_, v62, vm14 =	vpop (xrf1);
	[tilespmem:v7+s11+$0x0] =	vst.idx.add.s32.msk vm6, v23  }
0x23c: {  	v12 =	vand.u32 $0x7F, v12;
	v18 =	vand.u32 $0xFFFFFF80, v18;
	vm1 =	vmand vm1, vm14;
	_, v63, vm15 =	vpop (xrf1);
	[tilespmem:v8+s11+$0x0] =	vst.idx.add.s32.msk vm5, v58  }
0x23d: {  	v19 =	vand.u32 $0xFFFFFF80, v19;
	v12 =	vor.u32 v12, v18;
	vm2 =	vmand vm2, vm15;
	[tilespmem:v9+s11+$0x0] =	vst.idx.add.s32.msk vm4, v59  }
0x23e: {  	v14 =	vor.u32 v6, v19;
	[tilespmem:v10+s11+$0x0] =	vst.idx.add.s32.msk vm3, v60;
	_, v6, vm3 =	vpop (xrf1)  }
0x23f: {  	v7 =	vand.u32 $0xFFFFFF80, v21;
	v8 =	vand.u32 $0x7F, v20;
	vm0 =	vmand vm0, vm3  }
0x240: {  	v7 =	vor.u32 v8, v7;
	_ =	sdelay $0x1  }
0x241: {  	[tilespmem:v12+s11+$0x0] =	vst.idx.add.s32.msk vm1, v62  }
0x242: {  	s14 =	simm.s32 $0x200;
	s15 =	simm.s32 $0x400;
	[tilespmem:v14+s11+$0x0] =	vst.idx.add.s32.msk vm2, v63  }
.LBB2_29:
0x243: {  	p0 =	sne.s32 s15, $0x7E00  }
0x244: {  	s16 =	sshra.s32 s14, $0x2;
	[tilespmem:v7+s11+$0x0] =	vst.idx.add.s32.msk vm0, v6;
	s14 =	smov.u32 s15;
	s15 =	sadd.s32 $0x200, s15  }
0x245: {  	v6 =	vld [tilespmem:s16+$0x0]  }
0x246: {  	v7 =	vld [tilespmem:s16+$0x10]  }
0x247: {  	v8 =	vld [tilespmem:s16+$0x20]  }
0x248: {  	v9 =	vld [tilespmem:s16+$0x30]  }
0x249: {  	v10 =	vld [tilespmem:s16+$0x40]  }
0x24a: {  	v11 =	vsub.s32 v6, v4;
	v12 =	vld [tilespmem:s16+$0x50]  }
0x24b: {  	vm1 =	vlt.u32 v11, $0x1A000;
	v13 =	vsub.s32 v7, v4;
	v14 =	vld [tilespmem:s16+$0x60];
	v15 =	vand.u32 $0xFFFFFF80, v11  }
0x24c: {  	vm2 =	vlt.u32 v13, $0x1A000;
	v16 =	vsub.s32 v8, v4;
	v17 =	vld [tilespmem:s16+$0x70];
	v18 =	vand.u32 $0xFFFFFF80, v13;
	(xrf1) =	vunique.msk.u32 vm1, v11  }
0x24d: {  	vm5 =	vlt.u32 v16, $0x1A000;
	v11 =	vsub.s32 v9, v4;
	v19 =	vand.u32 $0xFFFFFF80, v16;
	(xrf1) =	vunique.msk.u32 vm2, v13  }
0x24e: {  	vm6 =	vlt.u32 v11, $0x1A000;
	v13 =	vsub.s32 v10, v4;
	v20 =	vand.u32 $0xFFFFFF80, v11;
	(xrf1) =	vunique.msk.u32 vm5, v16  }
0x24f: {  	vm7 =	vlt.u32 v13, $0x1A000;
	v16 =	vsub.s32 v12, v4;
	(xrf1) =	vunique.msk.u32 vm6, v11  }
0x250: {  	vm3 =	vlt.u32 v16, $0x1A000;
	v11 =	vsub.s32 v14, v4;
	v21 =	vand.u32 $0xFFFFFF80, v16;
	(xrf1) =	vunique.msk.u32 vm7, v13  }
0x251: {  	vm4 =	vlt.u32 v11, $0x1A000;
	v22 =	vsub.s32 v17, v4;
	v23 =	vand.u32 $0xFFFFFF80, v11;
	(xrf1) =	vunique.msk.u32 vm3, v16  }
0x252: {  	vm0 =	vlt.u32 v22, $0x1A000;
	v16 =	vand.u32 $0xFFFFFF80, v22;
	(xrf1) =	vunique.msk.u32 vm4, v11  }
0x253: {  	(xrf1) =	vunique.msk.u32 vm0, v22;
	_ =	sdelay $0x6  }
0x254: {  	_, v11, vm8 =	vpop (xrf1)  }
0x255: {  	v6 =	vand.u32 $0x7F, v6;
	v10 =	vand.u32 $0x7F, v10;
	vm1 =	vmand vm1, vm8;
	_, v22, vm8 =	vpop (xrf1)  }
0x256: {  	v7 =	vand.u32 $0x7F, v7;
	v6 =	vor.u32 v6, v15;
	vm2 =	vmand vm2, vm8;
	_, v15, vm8 =	vpop (xrf1)  }
0x257: {  	v8 =	vand.u32 $0x7F, v8;
	v7 =	vor.u32 v7, v18;
	vm5 =	vmand vm5, vm8;
	_, v18, vm8 =	vpop (xrf1)  }
0x258: {  	v9 =	vand.u32 $0x7F, v9;
	v8 =	vor.u32 v8, v19;
	vm6 =	vmand vm6, vm8;
	_, v19, vm8 =	vpop (xrf1)  }
0x259: {  	v9 =	vor.u32 v9, v20;
	v24 =	vand.u32 $0xFFFFFF80, v13;
	vm7 =	vmand vm7, vm8;
	_, v20, vm8 =	vpop (xrf1)  }
0x25a: {  	v12 =	vand.u32 $0x7F, v12;
	v10 =	vor.u32 v10, v24;
	vm3 =	vmand vm3, vm8;
	_, v13, vm8 =	vpop (xrf1)  }
0x25b: {  	vm4 =	vmand vm4, vm8;
	[tilespmem:v6+s11+$0x0] =	vst.idx.add.s32.msk vm1, v11;
	v11 =	vor.u32 v12, v21;
	v12 =	vand.u32 $0x7F, v14;
	_, v6, vm1 =	vpop (xrf1)  }
0x25c: {  	vm0 =	vmand vm0, vm1;
	[tilespmem:v7+s11+$0x0] =	vst.idx.add.s32.msk vm2, v22;
	v12 =	vor.u32 v12, v23;
	v7 =	vand.u32 $0x7F, v17  }
.Ltmp13:
0x25d: {  	[tilespmem:v8+s11+$0x0] =	vst.idx.add.s32.msk vm5, v15;
	v7 =	vor.u32 v7, v16;
	(pc) =	sbr.rel @p0 .LBB2_29-.Ltmp13, $4  }
0x25e: {  	[tilespmem:v9+s11+$0x0] =	vst.idx.add.s32.msk vm6, v18  }
0x25f: {  	[tilespmem:v10+s11+$0x0] =	vst.idx.add.s32.msk vm7, v19  }
0x260: {  	[tilespmem:v11+s11+$0x0] =	vst.idx.add.s32.msk vm3, v20  }
0x261: {  	[tilespmem:v12+s11+$0x0] =	vst.idx.add.s32.msk vm4, v13  }
0x262: {  	_ =	sdelay $0x4  }
0x263: {  	s14 =	sshra.s32 s14, $0x2;
	[tilespmem:v7+s11+$0x0] =	vst.idx.add.s32.msk vm0, v6  }
0x264: {  	v6 =	vld [tilespmem:s14+$0x0]  }
0x265: {  	v7 =	vld [tilespmem:s14+$0x10]  }
0x266: {  	v8 =	vld [tilespmem:s14+$0x20]  }
0x267: {  	v9 =	vld [tilespmem:s14+$0x30]  }
0x268: {  	v10 =	vld [tilespmem:s14+$0x40]  }
0x269: {  	v12 =	vld [tilespmem:s14+$0x50];
	v11 =	vsub.s32 v6, v4  }
0x26a: {  	v14 =	vld [tilespmem:s14+$0x60];
	v13 =	vsub.s32 v7, v4;
	vm7 =	vlt.u32 v11, $0x1A000  }
0x26b: {  	v16 =	vld [tilespmem:s14+$0x70];
	v15 =	vsub.s32 v8, v4;
	vm5 =	vlt.u32 v13, $0x1A000;
	(xrf1) =	vunique.msk.u32 vm7, v11  }
0x26c: {  	v17 =	vsub.s32 v9, v4;
	vm6 =	vlt.u32 v15, $0x1A000;
	(xrf1) =	vunique.msk.u32 vm5, v13  }
0x26d: {  	v18 =	vsub.s32 v10, v4;
	vm4 =	vlt.u32 v17, $0x1A000;
	(xrf1) =	vunique.msk.u32 vm6, v15  }
0x26e: {  	v19 =	vsub.s32 v12, v4;
	vm3 =	vlt.u32 v18, $0x1A000;
	(xrf1) =	vunique.msk.u32 vm4, v17  }
0x26f: {  	v20 =	vsub.s32 v14, v4;
	vm2 =	vlt.u32 v19, $0x1A000;
	(xrf1) =	vunique.msk.u32 vm3, v18  }
0x270: {  	v21 =	vsub.s32 v16, v4;
	vm1 =	vlt.u32 v20, $0x1A000;
	(xrf1) =	vunique.msk.u32 vm2, v19  }
0x271: {  	vm0 =	vlt.u32 v21, $0x1A000;
	(xrf1) =	vunique.msk.u32 vm1, v20  }
0x272: {  	(xrf1) =	vunique.msk.u32 vm0, v21;
	_ =	sdelay $0x4  }
0x273: {  	v6 =	vand.u32 $0x7F, v6  }
0x274: {  	v10 =	vand.u32 $0x7F, v10;
	v7 =	vand.u32 $0x7F, v7;
	v8 =	vand.u32 $0x7F, v8  }
0x275: {  	v9 =	vand.u32 $0x7F, v9;
	v12 =	vand.u32 $0x7F, v12;
	v60 =	vand.u32 $0x7F, v14;
	_, v22, vm8 =	vpop (xrf1)  }
0x276: {  	v62 =	vand.u32 $0x7F, v16;
	v11 =	vand.u32 $0xFFFFFF80, v11;
	vm7 =	vmand vm7, vm8;
	_, v23, vm13 =	vpop (xrf1)  }
0x277: {  	v13 =	vand.u32 $0xFFFFFF80, v13;
	v6 =	vor.u32 v6, v11;
	vm5 =	vmand vm5, vm13;
	_, v54, vm14 =	vpop (xrf1)  }
0x278: {  	v15 =	vand.u32 $0xFFFFFF80, v15;
	v7 =	vor.u32 v7, v13;
	vm6 =	vmand vm6, vm14;
	_, v55, vm15 =	vpop (xrf1)  }
0x279: {  	v17 =	vand.u32 $0xFFFFFF80, v17;
	v8 =	vor.u32 v8, v15;
	vm4 =	vmand vm4, vm15;
	_, v56, vm12 =	vpop (xrf1)  }
0x27a: {  	v57 =	vand.u32 $0xFFFFFF80, v18;
	v9 =	vor.u32 v9, v17;
	vm3 =	vmand vm3, vm12;
	_, v58, vm13 =	vpop (xrf1)  }
0x27b: {  	v10 =	vor.u32 v10, v57;
	v19 =	vand.u32 $0xFFFFFF80, v19;
	vm2 =	vmand vm2, vm13;
	_, v59, vm14 =	vpop (xrf1)  }
0x27c: {  	v20 =	vand.u32 $0xFFFFFF80, v20;
	vm1 =	vmand vm1, vm14;
	[tilespmem:v6+s11+$0x0] =	vst.idx.add.s32.msk vm7, v22;
	v6 =	vor.u32 v12, v19;
	_, v61, vm15 =	vpop (xrf1)  }
0x27d: {  	s13 =	sadd.s32 $0x1, s13;
	v21 =	vand.u32 $0xFFFFFF80, v21;
	vm0 =	vmand vm0, vm15;
	[tilespmem:v7+s11+$0x0] =	vst.idx.add.s32.msk vm5, v23;
	v7 =	vor.u32 v60, v20  }
0x27e: {  	p0 =	sne.s32 s13, $0x20;
	v63 =	vor.u32 v62, v21;
	[tilespmem:v8+s11+$0x0] =	vst.idx.add.s32.msk vm6, v54  }
.Ltmp14:
0x27f: {  	[tilespmem:v9+s11+$0x0] =	vst.idx.add.s32.msk vm4, v55;
	(pc) =	sbr.rel @p0 .LBB2_28-.Ltmp14, $4  }
0x280: {  	[tilespmem:v10+s11+$0x0] =	vst.idx.add.s32.msk vm3, v56  }
0x281: {  	[tilespmem:v6+s11+$0x0] =	vst.idx.add.s32.msk vm2, v58  }
0x282: {  	[tilespmem:v7+s11+$0x0] =	vst.idx.add.s32.msk vm1, v59  }
0x283: {  	[tilespmem:v63+s11+$0x0] =	vst.idx.add.s32.msk vm0, v61  }
0x284: {  	s12 =	sadd.s32 $0x1, s12  }
0x285: {  	p0 =	sne.s32 s12, s9  }
.Ltmp15:
0x286: {  	_ = 	snop;
	(pc) =	sbr.rel @p0 .LBB2_1-.Ltmp15, $4  }
0x287: {  	[hbm4b:s8+s2] =	stream.linear.scatter [tilespmem:s11], [sflag:$0x1], $0x1A000, $0x38;
	[tilespmem:$0x1C000] =	vst v63  }
0x288: {  	_ =	swait.ge [sflag:s10], $0x1A000  }
0x289: {  	[sflag:s10] =	ssyncset.done $0x0  }
0x28a: {  	[sflag:s10] =	ssyncadd.s32 $0xFFFE6000  }
0x28b: {  	_ =	sfence.sel $0x180000  }
0x28c: {  	[bflag:$0x0] =	sbarrier.arrive $0xFFFF  }
0x28d: {  	p0 =	sne.s32 s0, $0x0;
	_ =	strace $0x90000047  }
0x28e: {  	s0 =	sadd.s32 @!p0 $0x100000, s1;
	[bflag:$0x2] =	sbarrier.arrive $0xFFFF  }
0x28f: {  	[sflag:s0] =	ssyncadd.tile.s32 @!p0 $0x1;
	_ =	shalt  }
.Lfunc_end2:
_tile_overlayer_lowered:
.L_overlay_start_2:
0x290: {  	(tag) =	ssettag $0x2  }
0x291: {  	s0 =	rddreg [dreg:$0x0];
	s2 =	stileid.u32  }
0x292: {  	s1 =	rddreg [dreg:$0x1];
	p0 =	sne.s32 s2, $0x0  }
0x293: {  	s3 =	rddreg [dreg:$0x2];
	[bflag:$0x3] =	sbarrier.arrive $0xFFFF;
	s2 =	simm.s32 @!p0 $0x1C01  }
0x294: {  	[timem:s3], [sflag:s2] =	dma.local @!p0 [hbm:s0], s1  }
0x295: {  	s0 =	simm.s32 @!p0 $0x1  }
0x296: {  	_ =	swait.ge @!p0 [sflag:s0], s1  }
0x297: {  	s1 =	ssub.s32 @!p0 $0x0, s1;
	[sflag:s0] =	ssyncset.done @!p0 $0x0  }
0x298: {  	[sflag:s0] =	ssyncadd.s32 @!p0 s1  }
0x299: {  	[bflag:$0x3] =	sbarrier.arrive $0xFFFF  }
0x29a: {  	_ =	shalt  }

</sc_bundles>
